<compile_context>
chip_gen: v7x
topology: tpu7x:2x2x1
jax: 0.10.2.dev20260603
libtpu: 0.0.44.dev20260713+nightly
codegen_flags: <defaults>
</compile_context>

<pallas_src>
import functools

import jax
import jax.numpy as jnp
from jax import lax
from jax.experimental import pallas as pl
from jax.experimental.pallas import tpu as pltpu
from jax.experimental.pallas import tpu_sc as plsc

_EMB = 1000000
_DIM = 32
_NUM_CORES = 2
_NUM_WORKERS = 32
_SLOTS = 8


@jax.jit
def _gather(idx, weight_t):
    batch = idx.shape[0]
    b_per_w = batch // _NUM_WORKERS
    mesh = plsc.VectorSubcoreMesh(core_axis_name="c", subcore_axis_name="s")

    @functools.partial(
        pl.kernel,
        mesh=mesh,
        out_type=jax.ShapeDtypeStruct((batch, _DIM), jnp.float32),
        scratch_types=[
            pltpu.VMEM((b_per_w,), jnp.int32),
            pltpu.VMEM((_SLOTS, _DIM, 128), jnp.float32),
            pltpu.VMEM((b_per_w, _DIM), jnp.float32),
        ]
        + [pltpu.SemaphoreType.DMA] * _SLOTS,
        compiler_params=pltpu.CompilerParams(
            use_tc_tiling_on_sc=True, needs_layout_passes=False
        ),
    )
    def k(idx_hbm, tab_hbm, out_hbm, idx_v, blk, val, *sems):
        w = lax.axis_index("s") * _NUM_CORES + lax.axis_index("c")
        base = w * b_per_w
        pltpu.sync_copy(idx_hbm.at[pl.ds(base, b_per_w)], idx_v)

        feat_lo = lax.iota(jnp.int32, 16)
        feat_hi = feat_lo + 16

        def group(g, carry):
            b0 = g * 16
            v = idx_v[pl.ds(b0, 16)]

            def fire(j, slot):
                c = pl.multiple_of((v[j] >> 7) << 7, 128)
                pltpu.async_copy(
                    tab_hbm.at[:, pl.ds(c, 128)], blk.at[slot], sems[slot]
                )

            def wait(slot):
                pltpu.make_async_copy(
                    tab_hbm.at[:, pl.ds(0, 128)], blk.at[slot], sems[slot]
                ).wait()

            def extract(j, slot):
                lane = jnp.full((16,), v[j] & 127, jnp.int32)
                r0 = plsc.load_gather(blk.at[slot], [feat_lo, lane])
                r1 = plsc.load_gather(blk.at[slot], [feat_hi, lane])
                val[b0 + j, pl.ds(0, 16)] = r0
                val[b0 + j, pl.ds(16, 16)] = r1

            for j in range(_SLOTS):
                fire(j, j)
            for j in range(16 - _SLOTS):
                wait(j)
                extract(j, j)
                fire(j + _SLOTS, j)
            for j in range(16 - _SLOTS, 16):
                wait(j % _SLOTS)
                extract(j, j % _SLOTS)
            return carry

        lax.fori_loop(0, b_per_w // 16, group, 0)

        pltpu.sync_copy(val, out_hbm.at[pl.ds(base, b_per_w), :])

    return k(idx, weight_t)


def kernel(input, weight):
    return _gather(input.astype(jnp.int32), weight.T)

# --- scband reference (transcript-rebuilt; emitter-appended) ---
"""Pipeline reference for scband-hash-embedding-layer-31705448579965 (READ-ONLY COPY).

The authoritative reference and input builder live on the scoring server;
editing this copy changes nothing except your own understanding.
"""

import jax, jax.numpy as jnp
import numpy as np

EMB_SIZE = 1000000
DIM = 32
BATCH = 16384

def setup_inputs(seed: int = 0) -> dict:
    key = jax.random.key(seed)
    k_idx, k_w = jax.random.split(key)
    input = jax.random.randint(k_idx, (BATCH,), 0, EMB_SIZE, dtype=jnp.int64)
    # Learned parameter: the hash embedding table (dense materialization of
    # the PS-backed sparse weight of shape [emb_size, dim]).
    weight = jax.random.normal(k_w, (EMB_SIZE, DIM), dtype=jnp.float32) * 0.01
    return {"input": input, "weight": weight}

def reference(input, weight):
    # HashEmbeddingLayer.forward: ps_client.get_tensor_from_dic gathers rows of
    # the [emb_size, dim] table at the given indices; HashEmbeddingFunc1 passes
    # the gathered dense rows through unchanged.
    selected_dense = jnp.take(weight, input, axis=0)
    return selected_dense

if __name__ == "__main__":
    import jax
    _d = setup_inputs()
    print(jax.jit(kernel)(*tuple(_d.values())))

</pallas_src>

<mosaic_0001>
#map = affine_map<(d0, d1) -> (0)>
#map1 = affine_map<(d0, d1) -> (0, 0)>
module attributes {stable_mosaic.version = 14 : i64} {
  func.func @k(%arg0: i32, %arg1: i32, %arg2: memref<16384xi32, #tpu.memory_space<hbm>>, %arg3: memref<32x1000000xf32, #tpu.memory_space<hbm>>, %arg4: memref<16384x32xf32, #tpu.memory_space<hbm>>, %arg5: memref<512xi32, #tpu.memory_space<vmem>>, %arg6: memref<8x32x128xf32, #tpu.memory_space<vmem>>, %arg7: memref<512x32xf32, #tpu.memory_space<vmem>>, %arg8: memref<!tpu.dma_semaphore, #tpu.memory_space<semaphore_mem>>, %arg9: memref<!tpu.dma_semaphore, #tpu.memory_space<semaphore_mem>>, %arg10: memref<!tpu.dma_semaphore, #tpu.memory_space<semaphore_mem>>, %arg11: memref<!tpu.dma_semaphore, #tpu.memory_space<semaphore_mem>>, %arg12: memref<!tpu.dma_semaphore, #tpu.memory_space<semaphore_mem>>, %arg13: memref<!tpu.dma_semaphore, #tpu.memory_space<semaphore_mem>>, %arg14: memref<!tpu.dma_semaphore, #tpu.memory_space<semaphore_mem>>, %arg15: memref<!tpu.dma_semaphore, #tpu.memory_space<semaphore_mem>>) attributes {dimension_semantics = [#tpu.dimension_semantics<core_parallel>, #tpu.dimension_semantics<subcore_parallel>], iteration_bounds = array<i64: 2, 16>, scalar_prefetch = 0 : i64, scratch_operands = 11 : i64, tpu.core_type = #tpu.core_type<sc_vector_subcore>, window_params = [{transform_indices = #map}, {transform_indices = #map1}, {transform_indices = #map1}]} {
    %mul3A = arith.constant 2 : i32
    %mul3A_0 = arith.muli %arg1, %mul3A : i32
    %add3A = arith.addi %mul3A_0, %arg0 : i32
    %mul3A_1 = arith.constant 512 : i32
    %mul3A_2 = arith.muli %add3A, %mul3A_1 : i32
    "tpu.region"() ({
      %run_scoped3A = tpu.sem_alloc : memref<!tpu.dma_semaphore, #tpu.memory_space<semaphore_mem>>
      %dma_start3A = tpu.memref_slice %arg2[%mul3A_2] : memref<16384xi32, #tpu.memory_space<hbm>> -> memref<512xi32, #tpu.memory_space<hbm>>
      %dma_start3A_11 = tpu.memref_slice %arg2[%mul3A_2] : memref<16384xi32, #tpu.memory_space<hbm>> -> memref<512xi32, #tpu.memory_space<hbm>>
      tpu.enqueue_dma source(%dma_start3A_11 : memref<512xi32, #tpu.memory_space<hbm>>) target(%arg5 : memref<512xi32, #tpu.memory_space<vmem>>) target_semaphore(%run_scoped3A : memref<!tpu.dma_semaphore, #tpu.memory_space<semaphore_mem>>)
      %dma_wait3A = tpu.memref_slice %arg2[%mul3A_2] : memref<16384xi32, #tpu.memory_space<hbm>> -> memref<512xi32, #tpu.memory_space<hbm>>
      %dma_wait3A_12 = tpu.memref_slice %arg2[%mul3A_2] : memref<16384xi32, #tpu.memory_space<hbm>> -> memref<512xi32, #tpu.memory_space<hbm>>
      tpu.wait_dma2 semaphore(%run_scoped3A : memref<!tpu.dma_semaphore, #tpu.memory_space<semaphore_mem>>) src(%dma_wait3A_12 : memref<512xi32, #tpu.memory_space<hbm>>) dst(%arg5 : memref<512xi32, #tpu.memory_space<vmem>>)
      tpu.yield
    }) : () -> ()
    %iota3A = tpu.iota {dimensions = array<i32: 0>} : vector<16xi32>
    %add3A_3 = arith.constant 16 : i32
    %add3A_4 = vector.broadcast %add3A_3 : i32 to vector<16xi32>
    %add3A_5 = arith.addi %iota3A, %add3A_4 : vector<16xi32>
    %scan3A = arith.constant 0 : i32
    %scan3A_6 = arith.constant 0 : i32
    %scan3A_7 = arith.constant 32 : i32
    %scan3A_8 = arith.addi %scan3A_6, %scan3A_7 : i32
    %scan3A_9 = arith.constant 1 : i32
    scf.for %scan3A_11 = %scan3A_6 to %scan3A_8 step %scan3A_9  : i32 {
      %mul3A_12 = arith.constant 16 : i32
      %mul3A_13 = arith.muli %scan3A_11, %mul3A_12 : i32
      %get3A = arith.index_cast %mul3A_13 : i32 to index
      %get3A_14 = tpu.vector_load %arg5[%get3A] {strides = array<i32>} : memref<512xi32, #tpu.memory_space<vmem>>, vector<16xi32>,
      %slice3A = vector.extract_strided_slice %get3A_14 {offsets = [0], sizes = [1], strides = [1]} : vector<16xi32> to vector<1xi32>
      %squeeze3A = vector.extract %slice3A[0] : i32 from vector<1xi32>
      %shift_right_arithmetic3A = arith.constant 7 : i32
      %shift_right_arithmetic3A_15 = arith.shrsi %squeeze3A, %shift_right_arithmetic3A : i32
      %shift_left3A = arith.constant 7 : i32
      %shift_left3A_16 = arith.shli %shift_right_arithmetic3A_15, %shift_left3A : i32
      %multiple_of3A = tpu.assume_multiple %shift_left3A_16, 128 : i32
      %dma_start3A = arith.constant 0 : i32
      %dma_start3A_17 = arith.constant 0 : i32
      %dma_start3A_18 = arith.constant 0 : i32
      %dma_start3A_19 = tpu.memref_slice %arg6[%dma_start3A, %dma_start3A_17, %dma_start3A_18] : memref<8x32x128xf32, #tpu.memory_space<vmem>> -> memref<1x32x128xf32, #tpu.memory_space<vmem>>
      %dma_start3A_20 = tpu.memref_squeeze %dma_start3A_19 : memref<1x32x128xf32, #tpu.memory_space<vmem>> -> memref<32x128xf32, #tpu.memory_space<vmem>>
      %dma_start3A_21 = arith.constant 0 : i32
      %dma_start3A_22 = tpu.memref_slice %arg3[%dma_start3A_21, %multiple_of3A] : memref<32x1000000xf32, #tpu.memory_space<hbm>> -> memref<32x128xf32, #tpu.memory_space<hbm>>
      %dma_start3A_23 = arith.constant 0 : i32
      %dma_start3A_24 = arith.constant 0 : i32
      %dma_start3A_25 = tpu.memref_slice %arg6[%dma_start3A, %dma_start3A_23, %dma_start3A_24] : memref<8x32x128xf32, #tpu.memory_space<vmem>> -> memref<1x32x128xf32, #tpu.memory_space<vmem>>
      %dma_start3A_26 = tpu.memref_squeeze %dma_start3A_25 : memref<1x32x128xf32, #tpu.memory_space<vmem>> -> memref<32x128xf32, #tpu.memory_space<vmem>>
      %dma_start3A_27 = arith.constant 0 : i32
      %dma_start3A_28 = tpu.memref_slice %arg3[%dma_start3A_27, %multiple_of3A] : memref<32x1000000xf32, #tpu.memory_space<hbm>> -> memref<32x128xf32, #tpu.memory_space<hbm>>
      tpu.enqueue_dma source(%dma_start3A_28 : memref<32x128xf32, #tpu.memory_space<hbm>>) target(%dma_start3A_26 : memref<32x128xf32, #tpu.memory_space<vmem>>) target_semaphore(%arg8 : memref<!tpu.dma_semaphore, #tpu.memory_space<semaphore_mem>>)
      %slice3A_29 = vector.extract_strided_slice %get3A_14 {offsets = [1], sizes = [1], strides = [1]} : vector<16xi32> to vector<1xi32>
      %squeeze3A_30 = vector.extract %slice3A_29[0] : i32 from vector<1xi32>
      %shift_right_arithmetic3A_31 = arith.constant 7 : i32
      %shift_right_arithmetic3A_32 = arith.shrsi %squeeze3A_30, %shift_right_arithmetic3A_31 : i32
      %shift_left3A_33 = arith.constant 7 : i32
      %shift_left3A_34 = arith.shli %shift_right_arithmetic3A_32, %shift_left3A_33 : i32
      %multiple_of3A_35 = tpu.assume_multiple %shift_left3A_34, 128 : i32
      %dma_start3A_36 = arith.constant 1 : i32
      %dma_start3A_37 = arith.constant 0 : i32
      %dma_start3A_38 = arith.constant 0 : i32
      %dma_start3A_39 = tpu.memref_slice %arg6[%dma_start3A_36, %dma_start3A_37, %dma_start3A_38] : memref<8x32x128xf32, #tpu.memory_space<vmem>> -> memref<1x32x128xf32, #tpu.memory_space<vmem>>
      %dma_start3A_40 = tpu.memref_squeeze %dma_start3A_39 : memref<1x32x128xf32, #tpu.memory_space<vmem>> -> memref<32x128xf32, #tpu.memory_space<vmem>>
      %dma_start3A_41 = arith.constant 0 : i32
      %dma_start3A_42 = tpu.memref_slice %arg3[%dma_start3A_41, %multiple_of3A_35] : memref<32x1000000xf32, #tpu.memory_space<hbm>> -> memref<32x128xf32, #tpu.memory_space<hbm>>
      %dma_start3A_43 = arith.constant 0 : i32
      %dma_start3A_44 = arith.constant 0 : i32
      %dma_start3A_45 = tpu.memref_slice %arg6[%dma_start3A_36, %dma_start3A_43, %dma_start3A_44] : memref<8x32x128xf32, #tpu.memory_space<vmem>> -> memref<1x32x128xf32, #tpu.memory_space<vmem>>
      %dma_start3A_46 = tpu.memref_squeeze %dma_start3A_45 : memref<1x32x128xf32, #tpu.memory_space<vmem>> -> memref<32x128xf32, #tpu.memory_space<vmem>>
      %dma_start3A_47 = arith.constant 0 : i32
      %dma_start3A_48 = tpu.memref_slice %arg3[%dma_start3A_47, %multiple_of3A_35] : memref<32x1000000xf32, #tpu.memory_space<hbm>> -> memref<32x128xf32, #tpu.memory_space<hbm>>
      tpu.enqueue_dma source(%dma_start3A_48 : memref<32x128xf32, #tpu.memory_space<hbm>>) target(%dma_start3A_46 : memref<32x128xf32, #tpu.memory_space<vmem>>) target_semaphore(%arg9 : memref<!tpu.dma_semaphore, #tpu.memory_space<semaphore_mem>>)
      %slice3A_49 = vector.extract_strided_slice %get3A_14 {offsets = [2], sizes = [1], strides = [1]} : vector<16xi32> to vector<1xi32>
      %squeeze3A_50 = vector.extract %slice3A_49[0] : i32 from vector<1xi32>
      %shift_right_arithmetic3A_51 = arith.constant 7 : i32
      %shift_right_arithmetic3A_52 = arith.shrsi %squeeze3A_50, %shift_right_arithmetic3A_51 : i32
      %shift_left3A_53 = arith.constant 7 : i32
      %shift_left3A_54 = arith.shli %shift_right_arithmetic3A_52, %shift_left3A_53 : i32
      %multiple_of3A_55 = tpu.assume_multiple %shift_left3A_54, 128 : i32
      %dma_start3A_56 = arith.constant 2 : i32
      %dma_start3A_57 = arith.constant 0 : i32
      %dma_start3A_58 = arith.constant 0 : i32
      %dma_start3A_59 = tpu.memref_slice %arg6[%dma_start3A_56, %dma_start3A_57, %dma_start3A_58] : memref<8x32x128xf32, #tpu.memory_space<vmem>> -> memref<1x32x128xf32, #tpu.memory_space<vmem>>
      %dma_start3A_60 = tpu.memref_squeeze %dma_start3A_59 : memref<1x32x128xf32, #tpu.memory_space<vmem>> -> memref<32x128xf32, #tpu.memory_space<vmem>>
      %dma_start3A_61 = arith.constant 0 : i32
      %dma_start3A_62 = tpu.memref_slice %arg3[%dma_start3A_61, %multiple_of3A_55] : memref<32x1000000xf32, #tpu.memory_space<hbm>> -> memref<32x128xf32, #tpu.memory_space<hbm>>
      %dma_start3A_63 = arith.constant 0 : i32
      %dma_start3A_64 = arith.constant 0 : i32
      %dma_start3A_65 = tpu.memref_slice %arg6[%dma_start3A_56, %dma_start3A_63, %dma_start3A_64] : memref<8x32x128xf32, #tpu.memory_space<vmem>> -> memref<1x32x128xf32, #tpu.memory_space<vmem>>
      %dma_start3A_66 = tpu.memref_squeeze %dma_start3A_65 : memref<1x32x128xf32, #tpu.memory_space<vmem>> -> memref<32x128xf32, #tpu.memory_space<vmem>>
      %dma_start3A_67 = arith.constant 0 : i32
      %dma_start3A_68 = tpu.memref_slice %arg3[%dma_start3A_67, %multiple_of3A_55] : memref<32x1000000xf32, #tpu.memory_space<hbm>> -> memref<32x128xf32, #tpu.memory_space<hbm>>
      tpu.enqueue_dma source(%dma_start3A_68 : memref<32x128xf32, #tpu.memory_space<hbm>>) target(%dma_start3A_66 : memref<32x128xf32, #tpu.memory_space<vmem>>) target_semaphore(%arg10 : memref<!tpu.dma_semaphore, #tpu.memory_space<semaphore_mem>>)
      %slice3A_69 = vector.extract_strided_slice %get3A_14 {offsets = [3], sizes = [1], strides = [1]} : vector<16xi32> to vector<1xi32>
      %squeeze3A_70 = vector.extract %slice3A_69[0] : i32 from vector<1xi32>
      %shift_right_arithmetic3A_71 = arith.constant 7 : i32
      %shift_right_arithmetic3A_72 = arith.shrsi %squeeze3A_70, %shift_right_arithmetic3A_71 : i32
      %shift_left3A_73 = arith.constant 7 : i32
      %shift_left3A_74 = arith.shli %shift_right_arithmetic3A_72, %shift_left3A_73 : i32
      %multiple_of3A_75 = tpu.assume_multiple %shift_left3A_74, 128 : i32
      %dma_start3A_76 = arith.constant 3 : i32
      %dma_start3A_77 = arith.constant 0 : i32
      %dma_start3A_78 = arith.constant 0 : i32
      %dma_start3A_79 = tpu.memref_slice %arg6[%dma_start3A_76, %dma_start3A_77, %dma_start3A_78] : memref<8x32x128xf32, #tpu.memory_space<vmem>> -> memref<1x32x128xf32, #tpu.memory_space<vmem>>
      %dma_start3A_80 = tpu.memref_squeeze %dma_start3A_79 : memref<1x32x128xf32, #tpu.memory_space<vmem>> -> memref<32x128xf32, #tpu.memory_space<vmem>>
      %dma_start3A_81 = arith.constant 0 : i32
      %dma_start3A_82 = tpu.memref_slice %arg3[%dma_start3A_81, %multiple_of3A_75] : memref<32x1000000xf32, #tpu.memory_space<hbm>> -> memref<32x128xf32, #tpu.memory_space<hbm>>
      %dma_start3A_83 = arith.constant 0 : i32
      %dma_start3A_84 = arith.constant 0 : i32
      %dma_start3A_85 = tpu.memref_slice %arg6[%dma_start3A_76, %dma_start3A_83, %dma_start3A_84] : memref<8x32x128xf32, #tpu.memory_space<vmem>> -> memref<1x32x128xf32, #tpu.memory_space<vmem>>
      %dma_start3A_86 = tpu.memref_squeeze %dma_start3A_85 : memref<1x32x128xf32, #tpu.memory_space<vmem>> -> memref<32x128xf32, #tpu.memory_space<vmem>>
      %dma_start3A_87 = arith.constant 0 : i32
      %dma_start3A_88 = tpu.memref_slice %arg3[%dma_start3A_87, %multiple_of3A_75] : memref<32x1000000xf32, #tpu.memory_space<hbm>> -> memref<32x128xf32, #tpu.memory_space<hbm>>
      tpu.enqueue_dma source(%dma_start3A_88 : memref<32x128xf32, #tpu.memory_space<hbm>>) target(%dma_start3A_86 : memref<32x128xf32, #tpu.memory_space<vmem>>) target_semaphore(%arg11 : memref<!tpu.dma_semaphore, #tpu.memory_space<semaphore_mem>>)
      %slice3A_89 = vector.extract_strided_slice %get3A_14 {offsets = [4], sizes = [1], strides = [1]} : vector<16xi32> to vector<1xi32>
      %squeeze3A_90 = vector.extract %slice3A_89[0] : i32 from vector<1xi32>
      %shift_right_arithmetic3A_91 = arith.constant 7 : i32
      %shift_right_arithmetic3A_92 = arith.shrsi %squeeze3A_90, %shift_right_arithmetic3A_91 : i32
      %shift_left3A_93 = arith.constant 7 : i32
      %shift_left3A_94 = arith.shli %shift_right_arithmetic3A_92, %shift_left3A_93 : i32
      %multiple_of3A_95 = tpu.assume_multiple %shift_left3A_94, 128 : i32
      %dma_start3A_96 = arith.constant 4 : i32
      %dma_start3A_97 = arith.constant 0 : i32
      %dma_start3A_98 = arith.constant 0 : i32
      %dma_start3A_99 = tpu.memref_slice %arg6[%dma_start3A_96, %dma_start3A_97, %dma_start3A_98] : memref<8x32x128xf32, #tpu.memory_space<vmem>> -> memref<1x32x128xf32, #tpu.memory_space<vmem>>
      %dma_start3A_100 = tpu.memref_squeeze %dma_start3A_99 : memref<1x32x128xf32, #tpu.memory_space<vmem>> -> memref<32x128xf32, #tpu.memory_space<vmem>>
      %dma_start3A_101 = arith.constant 0 : i32
      %dma_start3A_102 = tpu.memref_slice %arg3[%dma_start3A_101, %multiple_of3A_95] : memref<32x1000000xf32, #tpu.memory_space<hbm>> -> memref<32x128xf32, #tpu.memory_space<hbm>>
      %dma_start3A_103 = arith.constant 0 : i32
      %dma_start3A_104 = arith.constant 0 : i32
      %dma_start3A_105 = tpu.memref_slice %arg6[%dma_start3A_96, %dma_start3A_103, %dma_start3A_104] : memref<8x32x128xf32, #tpu.memory_space<vmem>> -> memref<1x32x128xf32, #tpu.memory_space<vmem>>
      %dma_start3A_106 = tpu.memref_squeeze %dma_start3A_105 : memref<1x32x128xf32, #tpu.memory_space<vmem>> -> memref<32x128xf32, #tpu.memory_space<vmem>>
      %dma_start3A_107 = arith.constant 0 : i32
      %dma_start3A_108 = tpu.memref_slice %arg3[%dma_start3A_107, %multiple_of3A_95] : memref<32x1000000xf32, #tpu.memory_space<hbm>> -> memref<32x128xf32, #tpu.memory_space<hbm>>
      tpu.enqueue_dma source(%dma_start3A_108 : memref<32x128xf32, #tpu.memory_space<hbm>>) target(%dma_start3A_106 : memref<32x128xf32, #tpu.memory_space<vmem>>) target_semaphore(%arg12 : memref<!tpu.dma_semaphore, #tpu.memory_space<semaphore_mem>>)
      %slice3A_109 = vector.extract_strided_slice %get3A_14 {offsets = [5], sizes = [1], strides = [1]} : vector<16xi32> to vector<1xi32>
      %squeeze3A_110 = vector.extract %slice3A_109[0] : i32 from vector<1xi32>
      %shift_right_arithmetic3A_111 = arith.constant 7 : i32
      %shift_right_arithmetic3A_112 = arith.shrsi %squeeze3A_110, %shift_right_arithmetic3A_111 : i32
      %shift_left3A_113 = arith.constant 7 : i32
      %shift_left3A_114 = arith.shli %shift_right_arithmetic3A_112, %shift_left3A_113 : i32
      %multiple_of3A_115 = tpu.assume_multiple %shift_left3A_114, 128 : i32
      %dma_start3A_116 = arith.constant 5 : i32
      %dma_start3A_117 = arith.constant 0 : i32
      %dma_start3A_118 = arith.constant 0 : i32
      %dma_start3A_119 = tpu.memref_slice %arg6[%dma_start3A_116, %dma_start3A_117, %dma_start3A_118] : memref<8x32x128xf32, #tpu.memory_space<vmem>> -> memref<1x32x128xf32, #tpu.memory_space<vmem>>
      %dma_start3A_120 = tpu.memref_squeeze %dma_start3A_119 : memref<1x32x128xf32, #tpu.memory_space<vmem>> -> memref<32x128xf32, #tpu.memory_space<vmem>>
      %dma_start3A_121 = arith.constant 0 : i32
      %dma_start3A_122 = tpu.memref_slice %arg3[%dma_start3A_121, %multiple_of3A_115] : memref<32x1000000xf32, #tpu.memory_space<hbm>> -> memref<32x128xf32, #tpu.memory_space<hbm>>
      %dma_start3A_123 = arith.constant 0 : i32
      %dma_start3A_124 = arith.constant 0 : i32
      %dma_start3A_125 = tpu.memref_slice %arg6[%dma_start3A_116, %dma_start3A_123, %dma_start3A_124] : memref<8x32x128xf32, #tpu.memory_space<vmem>> -> memref<1x32x128xf32, #tpu.memory_space<vmem>>
      %dma_start3A_126 = tpu.memref_squeeze %dma_start3A_125 : memref<1x32x128xf32, #tpu.memory_space<vmem>> -> memref<32x128xf32, #tpu.memory_space<vmem>>
      %dma_start3A_127 = arith.constant 0 : i32
      %dma_start3A_128 = tpu.memref_slice %arg3[%dma_start3A_127, %multiple_of3A_115] : memref<32x1000000xf32, #tpu.memory_space<hbm>> -> memref<32x128xf32, #tpu.memory_space<hbm>>
      tpu.enqueue_dma source(%dma_start3A_128 : memref<32x128xf32, #tpu.memory_space<hbm>>) target(%dma_start3A_126 : memref<32x128xf32, #tpu.memory_space<vmem>>) target_semaphore(%arg13 : memref<!tpu.dma_semaphore, #tpu.memory_space<semaphore_mem>>)
      %slice3A_129 = vector.extract_strided_slice %get3A_14 {offsets = [6], sizes = [1], strides = [1]} : vector<16xi32> to vector<1xi32>
      %squeeze3A_130 = vector.extract %slice3A_129[0] : i32 from vector<1xi32>
      %shift_right_arithmetic3A_131 = arith.constant 7 : i32
      %shift_right_arithmetic3A_132 = arith.shrsi %squeeze3A_130, %shift_right_arithmetic3A_131 : i32
      %shift_left3A_133 = arith.constant 7 : i32
      %shift_left3A_134 = arith.shli %shift_right_arithmetic3A_132, %shift_left3A_133 : i32
      %multiple_of3A_135 = tpu.assume_multiple %shift_left3A_134, 128 : i32
      %dma_start3A_136 = arith.constant 6 : i32
      %dma_start3A_137 = arith.constant 0 : i32
      %dma_start3A_138 = arith.constant 0 : i32
      %dma_start3A_139 = tpu.memref_slice %arg6[%dma_start3A_136, %dma_start3A_137, %dma_start3A_138] : memref<8x32x128xf32, #tpu.memory_space<vmem>> -> memref<1x32x128xf32, #tpu.memory_space<vmem>>
      %dma_start3A_140 = tpu.memref_squeeze %dma_start3A_139 : memref<1x32x128xf32, #tpu.memory_space<vmem>> -> memref<32x128xf32, #tpu.memory_space<vmem>>
      %dma_start3A_141 = arith.constant 0 : i32
      %dma_start3A_142 = tpu.memref_slice %arg3[%dma_start3A_141, %multiple_of3A_135] : memref<32x1000000xf32, #tpu.memory_space<hbm>> -> memref<32x128xf32, #tpu.memory_space<hbm>>
      %dma_start3A_143 = arith.constant 0 : i32
      %dma_start3A_144 = arith.constant 0 : i32
      %dma_start3A_145 = tpu.memref_slice %arg6[%dma_start3A_136, %dma_start3A_143, %dma_start3A_144] : memref<8x32x128xf32, #tpu.memory_space<vmem>> -> memref<1x32x128xf32, #tpu.memory_space<vmem>>
      %dma_start3A_146 = tpu.memref_squeeze %dma_start3A_145 : memref<1x32x128xf32, #tpu.memory_space<vmem>> -> memref<32x128xf32, #tpu.memory_space<vmem>>
      %dma_start3A_147 = arith.constant 0 : i32
      %dma_start3A_148 = tpu.memref_slice %arg3[%dma_start3A_147, %multiple_of3A_135] : memref<32x1000000xf32, #tpu.memory_space<hbm>> -> memref<32x128xf32, #tpu.memory_space<hbm>>
      tpu.enqueue_dma source(%dma_start3A_148 : memref<32x128xf32, #tpu.memory_space<hbm>>) target(%dma_start3A_146 : memref<32x128xf32, #tpu.memory_space<vmem>>) target_semaphore(%arg14 : memref<!tpu.dma_semaphore, #tpu.memory_space<semaphore_mem>>)
      %slice3A_149 = vector.extract_strided_slice %get3A_14 {offsets = [7], sizes = [1], strides = [1]} : vector<16xi32> to vector<1xi32>
      %squeeze3A_150 = vector.extract %slice3A_149[0] : i32 from vector<1xi32>
      %shift_right_arithmetic3A_151 = arith.constant 7 : i32
      %shift_right_arithmetic3A_152 = arith.shrsi %squeeze3A_150, %shift_right_arithmetic3A_151 : i32
      %shift_left3A_153 = arith.constant 7 : i32
      %shift_left3A_154 = arith.shli %shift_right_arithmetic3A_152, %shift_left3A_153 : i32
      %multiple_of3A_155 = tpu.assume_multiple %shift_left3A_154, 128 : i32
      %dma_start3A_156 = arith.constant 7 : i32
      %dma_start3A_157 = arith.constant 0 : i32
      %dma_start3A_158 = arith.constant 0 : i32
      %dma_start3A_159 = tpu.memref_slice %arg6[%dma_start3A_156, %dma_start3A_157, %dma_start3A_158] : memref<8x32x128xf32, #tpu.memory_space<vmem>> -> memref<1x32x128xf32, #tpu.memory_space<vmem>>
      %dma_start3A_160 = tpu.memref_squeeze %dma_start3A_159 : memref<1x32x128xf32, #tpu.memory_space<vmem>> -> memref<32x128xf32, #tpu.memory_space<vmem>>
      %dma_start3A_161 = arith.constant 0 : i32
      %dma_start3A_162 = tpu.memref_slice %arg3[%dma_start3A_161, %multiple_of3A_155] : memref<32x1000000xf32, #tpu.memory_space<hbm>> -> memref<32x128xf32, #tpu.memory_space<hbm>>
      %dma_start3A_163 = arith.constant 0 : i32
      %dma_start3A_164 = arith.constant 0 : i32
      %dma_start3A_165 = tpu.memref_slice %arg6[%dma_start3A_156, %dma_start3A_163, %dma_start3A_164] : memref<8x32x128xf32, #tpu.memory_space<vmem>> -> memref<1x32x128xf32, #tpu.memory_space<vmem>>
      %dma_start3A_166 = tpu.memref_squeeze %dma_start3A_165 : memref<1x32x128xf32, #tpu.memory_space<vmem>> -> memref<32x128xf32, #tpu.memory_space<vmem>>
      %dma_start3A_167 = arith.constant 0 : i32
      %dma_start3A_168 = tpu.memref_slice %arg3[%dma_start3A_167, %multiple_of3A_155] : memref<32x1000000xf32, #tpu.memory_space<hbm>> -> memref<32x128xf32, #tpu.memory_space<hbm>>
      tpu.enqueue_dma source(%dma_start3A_168 : memref<32x128xf32, #tpu.memory_space<hbm>>) target(%dma_start3A_166 : memref<32x128xf32, #tpu.memory_space<vmem>>) target_semaphore(%arg15 : memref<!tpu.dma_semaphore, #tpu.memory_space<semaphore_mem>>)
      %dma_wait3A = arith.constant 0 : i32
      %dma_wait3A_169 = arith.constant 0 : i32
      %dma_wait3A_170 = arith.constant 0 : i32
      %dma_wait3A_171 = tpu.memref_slice %arg6[%dma_wait3A, %dma_wait3A_169, %dma_wait3A_170] : memref<8x32x128xf32, #tpu.memory_space<vmem>> -> memref<1x32x128xf32, #tpu.memory_space<vmem>>
      %dma_wait3A_172 = tpu.memref_squeeze %dma_wait3A_171 : memref<1x32x128xf32, #tpu.memory_space<vmem>> -> memref<32x128xf32, #tpu.memory_space<vmem>>
      %dma_wait3A_173 = arith.constant 0 : i32
      %dma_wait3A_174 = arith.constant 0 : i32
      %dma_wait3A_175 = tpu.memref_slice %arg3[%dma_wait3A_173, %dma_wait3A_174] : memref<32x1000000xf32, #tpu.memory_space<hbm>> -> memref<32x128xf32, #tpu.memory_space<hbm>>
      %dma_wait3A_176 = arith.constant 0 : i32
      %dma_wait3A_177 = arith.constant 0 : i32
      %dma_wait3A_178 = tpu.memref_slice %arg6[%dma_wait3A, %dma_wait3A_176, %dma_wait3A_177] : memref<8x32x128xf32, #tpu.memory_space<vmem>> -> memref<1x32x128xf32, #tpu.memory_space<vmem>>
      %dma_wait3A_179 = tpu.memref_squeeze %dma_wait3A_178 : memref<1x32x128xf32, #tpu.memory_space<vmem>> -> memref<32x128xf32, #tpu.memory_space<vmem>>
      %dma_wait3A_180 = arith.constant 0 : i32
      %dma_wait3A_181 = arith.constant 0 : i32
      %dma_wait3A_182 = tpu.memref_slice %arg3[%dma_wait3A_180, %dma_wait3A_181] : memref<32x1000000xf32, #tpu.memory_space<hbm>> -> memref<32x128xf32, #tpu.memory_space<hbm>>
      tpu.wait_dma2 semaphore(%arg8 : memref<!tpu.dma_semaphore, #tpu.memory_space<semaphore_mem>>) src(%dma_wait3A_182 : memref<32x128xf32, #tpu.memory_space<hbm>>) dst(%dma_wait3A_179 : memref<32x128xf32, #tpu.memory_space<vmem>>)
      %slice3A_183 = vector.extract_strided_slice %get3A_14 {offsets = [0], sizes = [1], strides = [1]} : vector<16xi32> to vector<1xi32>
      %squeeze3A_184 = vector.extract %slice3A_183[0] : i32 from vector<1xi32>
      %and3A = arith.constant 127 : i32
      %and3A_185 = arith.andi %squeeze3A_184, %and3A : i32
      %broadcast_in_dim3A = vector.broadcast %and3A_185 : i32 to vector<16xi32>
      %gather3A = arith.constant 0 : i32
      %gather3A_186 = arith.constant 0 : i32
      %gather3A_187 = arith.constant 0 : i32
      %gather3A_188 = tpu.memref_slice %arg6[%gather3A, %gather3A_186, %gather3A_187] : memref<8x32x128xf32, #tpu.memory_space<vmem>> -> memref<1x32x128xf32, #tpu.memory_space<vmem>>
      %gather3A_189 = tpu.memref_squeeze %gather3A_188 : memref<1x32x128xf32, #tpu.memory_space<vmem>> -> memref<32x128xf32, #tpu.memory_space<vmem>>
      %gather3A_190 = tpu.vector_load_idx %gather3A_189[%iota3A, %broadcast_in_dim3A] : memref<32x128xf32, #tpu.memory_space<vmem>>[vector<16xi32>, vector<16xi32>], vector<16xf32>,
      %gather3A_191 = arith.constant 0 : i32
      %gather3A_192 = arith.constant 0 : i32
      %gather3A_193 = arith.constant 0 : i32
      %gather3A_194 = tpu.memref_slice %arg6[%gather3A_191, %gather3A_192, %gather3A_193] : memref<8x32x128xf32, #tpu.memory_space<vmem>> -> memref<1x32x128xf32, #tpu.memory_space<vmem>>
      %gather3A_195 = tpu.memref_squeeze %gather3A_194 : memref<1x32x128xf32, #tpu.memory_space<vmem>> -> memref<32x128xf32, #tpu.memory_space<vmem>>
      %gather3A_196 = tpu.vector_load_idx %gather3A_195[%add3A_5, %broadcast_in_dim3A] : memref<32x128xf32, #tpu.memory_space<vmem>>[vector<16xi32>, vector<16xi32>], vector<16xf32>,
      %add3A_197 = arith.constant 0 : i32
      %add3A_198 = arith.addi %mul3A_13, %add3A_197 : i32
      %swap3A = arith.index_cast %add3A_198 : i32 to index
      %swap3A_199 = arith.constant 0 : index
      %swap3A_200 = tpu.vector_load %arg7[%swap3A, %swap3A_199] {strides = array<i32>} : memref<512x32xf32, #tpu.memory_space<vmem>>, vector<16xf32>,
      tpu.vector_store %arg7[%swap3A, %swap3A_199], %gather3A_190 {strides = array<i32>} : memref<512x32xf32, #tpu.memory_space<vmem>>, vector<16xf32>,
      %add3A_201 = arith.constant 0 : i32
      %add3A_202 = arith.addi %mul3A_13, %add3A_201 : i32
      %swap3A_203 = arith.index_cast %add3A_202 : i32 to index
      %swap3A_204 = arith.constant 16 : index
      %swap3A_205 = tpu.vector_load %arg7[%swap3A_203, %swap3A_204] {strides = array<i32>} : memref<512x32xf32, #tpu.memory_space<vmem>>, vector<16xf32>,
      tpu.vector_store %arg7[%swap3A_203, %swap3A_204], %gather3A_196 {strides = array<i32>} : memref<512x32xf32, #tpu.memory_space<vmem>>, vector<16xf32>,
      %slice3A_206 = vector.extract_strided_slice %get3A_14 {offsets = [8], sizes = [1], strides = [1]} : vector<16xi32> to vector<1xi32>
      %squeeze3A_207 = vector.extract %slice3A_206[0] : i32 from vector<1xi32>
      %shift_right_arithmetic3A_208 = arith.constant 7 : i32
      %shift_right_arithmetic3A_209 = arith.shrsi %squeeze3A_207, %shift_right_arithmetic3A_208 : i32
      %shift_left3A_210 = arith.constant 7 : i32
      %shift_left3A_211 = arith.shli %shift_right_arithmetic3A_209, %shift_left3A_210 : i32
      %multiple_of3A_212 = tpu.assume_multiple %shift_left3A_211, 128 : i32
      %dma_start3A_213 = arith.constant 0 : i32
      %dma_start3A_214 = arith.constant 0 : i32
      %dma_start3A_215 = arith.constant 0 : i32
      %dma_start3A_216 = tpu.memref_slice %arg6[%dma_start3A_213, %dma_start3A_214, %dma_start3A_215] : memref<8x32x128xf32, #tpu.memory_space<vmem>> -> memref<1x32x128xf32, #tpu.memory_space<vmem>>
      %dma_start3A_217 = tpu.memref_squeeze %dma_start3A_216 : memref<1x32x128xf32, #tpu.memory_space<vmem>> -> memref<32x128xf32, #tpu.memory_space<vmem>>
      %dma_start3A_218 = arith.constant 0 : i32
      %dma_start3A_219 = tpu.memref_slice %arg3[%dma_start3A_218, %multiple_of3A_212] : memref<32x1000000xf32, #tpu.memory_space<hbm>> -> memref<32x128xf32, #tpu.memory_space<hbm>>
      %dma_start3A_220 = arith.constant 0 : i32
      %dma_start3A_221 = arith.constant 0 : i32
      %dma_start3A_222 = tpu.memref_slice %arg6[%dma_start3A_213, %dma_start3A_220, %dma_start3A_221] : memref<8x32x128xf32, #tpu.memory_space<vmem>> -> memref<1x32x128xf32, #tpu.memory_space<vmem>>
      %dma_start3A_223 = tpu.memref_squeeze %dma_start3A_222 : memref<1x32x128xf32, #tpu.memory_space<vmem>> -> memref<32x128xf32, #tpu.memory_space<vmem>>
      %dma_start3A_224 = arith.constant 0 : i32
      %dma_start3A_225 = tpu.memref_slice %arg3[%dma_start3A_224, %multiple_of3A_212] : memref<32x1000000xf32, #tpu.memory_space<hbm>> -> memref<32x128xf32, #tpu.memory_space<hbm>>
      tpu.enqueue_dma source(%dma_start3A_225 : memref<32x128xf32, #tpu.memory_space<hbm>>) target(%dma_start3A_223 : memref<32x128xf32, #tpu.memory_space<vmem>>) target_semaphore(%arg8 : memref<!tpu.dma_semaphore, #tpu.memory_space<semaphore_mem>>)
      %dma_wait3A_226 = arith.constant 1 : i32
      %dma_wait3A_227 = arith.constant 0 : i32
      %dma_wait3A_228 = arith.constant 0 : i32
      %dma_wait3A_229 = tpu.memref_slice %arg6[%dma_wait3A_226, %dma_wait3A_227, %dma_wait3A_228] : memref<8x32x128xf32, #tpu.memory_space<vmem>> -> memref<1x32x128xf32, #tpu.memory_space<vmem>>
      %dma_wait3A_230 = tpu.memref_squeeze %dma_wait3A_229 : memref<1x32x128xf32, #tpu.memory_space<vmem>> -> memref<32x128xf32, #tpu.memory_space<vmem>>
      %dma_wait3A_231 = arith.constant 0 : i32
      %dma_wait3A_232 = arith.constant 0 : i32
      %dma_wait3A_233 = tpu.memref_slice %arg3[%dma_wait3A_231, %dma_wait3A_232] : memref<32x1000000xf32, #tpu.memory_space<hbm>> -> memref<32x128xf32, #tpu.memory_space<hbm>>
      %dma_wait3A_234 = arith.constant 0 : i32
      %dma_wait3A_235 = arith.constant 0 : i32
      %dma_wait3A_236 = tpu.memref_slice %arg6[%dma_wait3A_226, %dma_wait3A_234, %dma_wait3A_235] : memref<8x32x128xf32, #tpu.memory_space<vmem>> -> memref<1x32x128xf32, #tpu.memory_space<vmem>>
      %dma_wait3A_237 = tpu.memref_squeeze %dma_wait3A_236 : memref<1x32x128xf32, #tpu.memory_space<vmem>> -> memref<32x128xf32, #tpu.memory_space<vmem>>
      %dma_wait3A_238 = arith.constant 0 : i32
      %dma_wait3A_239 = arith.constant 0 : i32
      %dma_wait3A_240 = tpu.memref_slice %arg3[%dma_wait3A_238, %dma_wait3A_239] : memref<32x1000000xf32, #tpu.memory_space<hbm>> -> memref<32x128xf32, #tpu.memory_space<hbm>>
      tpu.wait_dma2 semaphore(%arg9 : memref<!tpu.dma_semaphore, #tpu.memory_space<semaphore_mem>>) src(%dma_wait3A_240 : memref<32x128xf32, #tpu.memory_space<hbm>>) dst(%dma_wait3A_237 : memref<32x128xf32, #tpu.memory_space<vmem>>)
      %slice3A_241 = vector.extract_strided_slice %get3A_14 {offsets = [1], sizes = [1], strides = [1]} : vector<16xi32> to vector<1xi32>
      %squeeze3A_242 = vector.extract %slice3A_241[0] : i32 from vector<1xi32>
      %and3A_243 = arith.constant 127 : i32
      %and3A_244 = arith.andi %squeeze3A_242, %and3A_243 : i32
      %broadcast_in_dim3A_245 = vector.broadcast %and3A_244 : i32 to vector<16xi32>
      %gather3A_246 = arith.constant 1 : i32
      %gather3A_247 = arith.constant 0 : i32
      %gather3A_248 = arith.constant 0 : i32
      %gather3A_249 = tpu.memref_slice %arg6[%gather3A_246, %gather3A_247, %gather3A_248] : memref<8x32x128xf32, #tpu.memory_space<vmem>> -> memref<1x32x128xf32, #tpu.memory_space<vmem>>
      %gather3A_250 = tpu.memref_squeeze %gather3A_249 : memref<1x32x128xf32, #tpu.memory_space<vmem>> -> memref<32x128xf32, #tpu.memory_space<vmem>>
      %gather3A_251 = tpu.vector_load_idx %gather3A_250[%iota3A, %broadcast_in_dim3A_245] : memref<32x128xf32, #tpu.memory_space<vmem>>[vector<16xi32>, vector<16xi32>], vector<16xf32>,
      %gather3A_252 = arith.constant 1 : i32
      %gather3A_253 = arith.constant 0 : i32
      %gather3A_254 = arith.constant 0 : i32
      %gather3A_255 = tpu.memref_slice %arg6[%gather3A_252, %gather3A_253, %gather3A_254] : memref<8x32x128xf32, #tpu.memory_space<vmem>> -> memref<1x32x128xf32, #tpu.memory_space<vmem>>
      %gather3A_256 = tpu.memref_squeeze %gather3A_255 : memref<1x32x128xf32, #tpu.memory_space<vmem>> -> memref<32x128xf32, #tpu.memory_space<vmem>>
      %gather3A_257 = tpu.vector_load_idx %gather3A_256[%add3A_5, %broadcast_in_dim3A_245] : memref<32x128xf32, #tpu.memory_space<vmem>>[vector<16xi32>, vector<16xi32>], vector<16xf32>,
      %add3A_258 = arith.constant 1 : i32
      %add3A_259 = arith.addi %mul3A_13, %add3A_258 : i32
      %swap3A_260 = arith.index_cast %add3A_259 : i32 to index
      %swap3A_261 = arith.constant 0 : index
      %swap3A_262 = tpu.vector_load %arg7[%swap3A_260, %swap3A_261] {strides = array<i32>} : memref<512x32xf32, #tpu.memory_space<vmem>>, vector<16xf32>,
      tpu.vector_store %arg7[%swap3A_260, %swap3A_261], %gather3A_251 {strides = array<i32>} : memref<512x32xf32, #tpu.memory_space<vmem>>, vector<16xf32>,
      %add3A_263 = arith.constant 1 : i32
      %add3A_264 = arith.addi %mul3A_13, %add3A_263 : i32
      %swap3A_265 = arith.index_cast %add3A_264 : i32 to index
      %swap3A_266 = arith.constant 16 : index
      %swap3A_267 = tpu.vector_load %arg7[%swap3A_265, %swap3A_266] {strides = array<i32>} : memref<512x32xf32, #tpu.memory_space<vmem>>, vector<16xf32>,
      tpu.vector_store %arg7[%swap3A_265, %swap3A_266], %gather3A_257 {strides = array<i32>} : memref<512x32xf32, #tpu.memory_space<vmem>>, vector<16xf32>,
      %slice3A_268 = vector.extract_strided_slice %get3A_14 {offsets = [9], sizes = [1], strides = [1]} : vector<16xi32> to vector<1xi32>
      %squeeze3A_269 = vector.extract %slice3A_268[0] : i32 from vector<1xi32>
      %shift_right_arithmetic3A_270 = arith.constant 7 : i32
      %shift_right_arithmetic3A_271 = arith.shrsi %squeeze3A_269, %shift_right_arithmetic3A_270 : i32
      %shift_left3A_272 = arith.constant 7 : i32
      %shift_left3A_273 = arith.shli %shift_right_arithmetic3A_271, %shift_left3A_272 : i32
      %multiple_of3A_274 = tpu.assume_multiple %shift_left3A_273, 128 : i32
      %dma_start3A_275 = arith.constant 1 : i32
      %dma_start3A_276 = arith.constant 0 : i32
      %dma_start3A_277 = arith.constant 0 : i32
      %dma_start3A_278 = tpu.memref_slice %arg6[%dma_start3A_275, %dma_start3A_276, %dma_start3A_277] : memref<8x32x128xf32, #tpu.memory_space<vmem>> -> memref<1x32x128xf32, #tpu.memory_space<vmem>>
      %dma_start3A_279 = tpu.memref_squeeze %dma_start3A_278 : memref<1x32x128xf32, #tpu.memory_space<vmem>> -> memref<32x128xf32, #tpu.memory_space<vmem>>
      %dma_start3A_280 = arith.constant 0 : i32
      %dma_start3A_281 = tpu.memref_slice %arg3[%dma_start3A_280, %multiple_of3A_274] : memref<32x1000000xf32, #tpu.memory_space<hbm>> -> memref<32x128xf32, #tpu.memory_space<hbm>>
      %dma_start3A_282 = arith.constant 0 : i32
      %dma_start3A_283 = arith.constant 0 : i32
      %dma_start3A_284 = tpu.memref_slice %arg6[%dma_start3A_275, %dma_start3A_282, %dma_start3A_283] : memref<8x32x128xf32, #tpu.memory_space<vmem>> -> memref<1x32x128xf32, #tpu.memory_space<vmem>>
      %dma_start3A_285 = tpu.memref_squeeze %dma_start3A_284 : memref<1x32x128xf32, #tpu.memory_space<vmem>> -> memref<32x128xf32, #tpu.memory_space<vmem>>
      %dma_start3A_286 = arith.constant 0 : i32
      %dma_start3A_287 = tpu.memref_slice %arg3[%dma_start3A_286, %multiple_of3A_274] : memref<32x1000000xf32, #tpu.memory_space<hbm>> -> memref<32x128xf32, #tpu.memory_space<hbm>>
      tpu.enqueue_dma source(%dma_start3A_287 : memref<32x128xf32, #tpu.memory_space<hbm>>) target(%dma_start3A_285 : memref<32x128xf32, #tpu.memory_space<vmem>>) target_semaphore(%arg9 : memref<!tpu.dma_semaphore, #tpu.memory_space<semaphore_mem>>)
      %dma_wait3A_288 = arith.constant 2 : i32
      %dma_wait3A_289 = arith.constant 0 : i32
      %dma_wait3A_290 = arith.constant 0 : i32
      %dma_wait3A_291 = tpu.memref_slice %arg6[%dma_wait3A_288, %dma_wait3A_289, %dma_wait3A_290] : memref<8x32x128xf32, #tpu.memory_space<vmem>> -> memref<1x32x128xf32, #tpu.memory_space<vmem>>
      %dma_wait3A_292 = tpu.memref_squeeze %dma_wait3A_291 : memref<1x32x128xf32, #tpu.memory_space<vmem>> -> memref<32x128xf32, #tpu.memory_space<vmem>>
      %dma_wait3A_293 = arith.constant 0 : i32
      %dma_wait3A_294 = arith.constant 0 : i32
      %dma_wait3A_295 = tpu.memref_slice %arg3[%dma_wait3A_293, %dma_wait3A_294] : memref<32x1000000xf32, #tpu.memory_space<hbm>> -> memref<32x128xf32, #tpu.memory_space<hbm>>
      %dma_wait3A_296 = arith.constant 0 : i32
      %dma_wait3A_297 = arith.constant 0 : i32
      %dma_wait3A_298 = tpu.memref_slice %arg6[%dma_wait3A_288, %dma_wait3A_296, %dma_wait3A_297] : memref<8x32x128xf32, #tpu.memory_space<vmem>> -> memref<1x32x128xf32, #tpu.memory_space<vmem>>
      %dma_wait3A_299 = tpu.memref_squeeze %dma_wait3A_298 : memref<1x32x128xf32, #tpu.memory_space<vmem>> -> memref<32x128xf32, #tpu.memory_space<vmem>>
      %dma_wait3A_300 = arith.constant 0 : i32
      %dma_wait3A_301 = arith.constant 0 : i32
      %dma_wait3A_302 = tpu.memref_slice %arg3[%dma_wait3A_300, %dma_wait3A_301] : memref<32x1000000xf32, #tpu.memory_space<hbm>> -> memref<32x128xf32, #tpu.memory_space<hbm>>
      tpu.wait_dma2 semaphore(%arg10 : memref<!tpu.dma_semaphore, #tpu.memory_space<semaphore_mem>>) src(%dma_wait3A_302 : memref<32x128xf32, #tpu.memory_space<hbm>>) dst(%dma_wait3A_299 : memref<32x128xf32, #tpu.memory_space<vmem>>)
      %slice3A_303 = vector.extract_strided_slice %get3A_14 {offsets = [2], sizes = [1], strides = [1]} : vector<16xi32> to vector<1xi32>
      %squeeze3A_304 = vector.extract %slice3A_303[0] : i32 from vector<1xi32>
      %and3A_305 = arith.constant 127 : i32
      %and3A_306 = arith.andi %squeeze3A_304, %and3A_305 : i32
      %broadcast_in_dim3A_307 = vector.broadcast %and3A_306 : i32 to vector<16xi32>
      %gather3A_308 = arith.constant 2 : i32
      %gather3A_309 = arith.constant 0 : i32
      %gather3A_310 = arith.constant 0 : i32
      %gather3A_311 = tpu.memref_slice %arg6[%gather3A_308, %gather3A_309, %gather3A_310] : memref<8x32x128xf32, #tpu.memory_space<vmem>> -> memref<1x32x128xf32, #tpu.memory_space<vmem>>
      %gather3A_312 = tpu.memref_squeeze %gather3A_311 : memref<1x32x128xf32, #tpu.memory_space<vmem>> -> memref<32x128xf32, #tpu.memory_space<vmem>>
      %gather3A_313 = tpu.vector_load_idx %gather3A_312[%iota3A, %broadcast_in_dim3A_307] : memref<32x128xf32, #tpu.memory_space<vmem>>[vector<16xi32>, vector<16xi32>], vector<16xf32>,
      %gather3A_314 = arith.constant 2 : i32
      %gather3A_315 = arith.constant 0 : i32
      %gather3A_316 = arith.constant 0 : i32
      %gather3A_317 = tpu.memref_slice %arg6[%gather3A_314, %gather3A_315, %gather3A_316] : memref<8x32x128xf32, #tpu.memory_space<vmem>> -> memref<1x32x128xf32, #tpu.memory_space<vmem>>
      %gather3A_318 = tpu.memref_squeeze %gather3A_317 : memref<1x32x128xf32, #tpu.memory_space<vmem>> -> memref<32x128xf32, #tpu.memory_space<vmem>>
      %gather3A_319 = tpu.vector_load_idx %gather3A_318[%add3A_5, %broadcast_in_dim3A_307] : memref<32x128xf32, #tpu.memory_space<vmem>>[vector<16xi32>, vector<16xi32>], vector<16xf32>,
      %add3A_320 = arith.constant 2 : i32
      %add3A_321 = arith.addi %mul3A_13, %add3A_320 : i32
      %swap3A_322 = arith.index_cast %add3A_321 : i32 to index
      %swap3A_323 = arith.constant 0 : index
      %swap3A_324 = tpu.vector_load %arg7[%swap3A_322, %swap3A_323] {strides = array<i32>} : memref<512x32xf32, #tpu.memory_space<vmem>>, vector<16xf32>,
      tpu.vector_store %arg7[%swap3A_322, %swap3A_323], %gather3A_313 {strides = array<i32>} : memref<512x32xf32, #tpu.memory_space<vmem>>, vector<16xf32>,
      %add3A_325 = arith.constant 2 : i32
      %add3A_326 = arith.addi %mul3A_13, %add3A_325 : i32
      %swap3A_327 = arith.index_cast %add3A_326 : i32 to index
      %swap3A_328 = arith.constant 16 : index
      %swap3A_329 = tpu.vector_load %arg7[%swap3A_327, %swap3A_328] {strides = array<i32>} : memref<512x32xf32, #tpu.memory_space<vmem>>, vector<16xf32>,
      tpu.vector_store %arg7[%swap3A_327, %swap3A_328], %gather3A_319 {strides = array<i32>} : memref<512x32xf32, #tpu.memory_space<vmem>>, vector<16xf32>,
      %slice3A_330 = vector.extract_strided_slice %get3A_14 {offsets = [10], sizes = [1], strides = [1]} : vector<16xi32> to vector<1xi32>
      %squeeze3A_331 = vector.extract %slice3A_330[0] : i32 from vector<1xi32>
      %shift_right_arithmetic3A_332 = arith.constant 7 : i32
      %shift_right_arithmetic3A_333 = arith.shrsi %squeeze3A_331, %shift_right_arithmetic3A_332 : i32
      %shift_left3A_334 = arith.constant 7 : i32
      %shift_left3A_335 = arith.shli %shift_right_arithmetic3A_333, %shift_left3A_334 : i32
      %multiple_of3A_336 = tpu.assume_multiple %shift_left3A_335, 128 : i32
      %dma_start3A_337 = arith.constant 2 : i32
      %dma_start3A_338 = arith.constant 0 : i32
      %dma_start3A_339 = arith.constant 0 : i32
      %dma_start3A_340 = tpu.memref_slice %arg6[%dma_start3A_337, %dma_start3A_338, %dma_start3A_339] : memref<8x32x128xf32, #tpu.memory_space<vmem>> -> memref<1x32x128xf32, #tpu.memory_space<vmem>>
      %dma_start3A_341 = tpu.memref_squeeze %dma_start3A_340 : memref<1x32x128xf32, #tpu.memory_space<vmem>> -> memref<32x128xf32, #tpu.memory_space<vmem>>
      %dma_start3A_342 = arith.constant 0 : i32
      %dma_start3A_343 = tpu.memref_slice %arg3[%dma_start3A_342, %multiple_of3A_336] : memref<32x1000000xf32, #tpu.memory_space<hbm>> -> memref<32x128xf32, #tpu.memory_space<hbm>>
      %dma_start3A_344 = arith.constant 0 : i32
      %dma_start3A_345 = arith.constant 0 : i32
      %dma_start3A_346 = tpu.memref_slice %arg6[%dma_start3A_337, %dma_start3A_344, %dma_start3A_345] : memref<8x32x128xf32, #tpu.memory_space<vmem>> -> memref<1x32x128xf32, #tpu.memory_space<vmem>>
      %dma_start3A_347 = tpu.memref_squeeze %dma_start3A_346 : memref<1x32x128xf32, #tpu.memory_space<vmem>> -> memref<32x128xf32, #tpu.memory_space<vmem>>
      %dma_start3A_348 = arith.constant 0 : i32
      %dma_start3A_349 = tpu.memref_slice %arg3[%dma_start3A_348, %multiple_of3A_336] : memref<32x1000000xf32, #tpu.memory_space<hbm>> -> memref<32x128xf32, #tpu.memory_space<hbm>>
      tpu.enqueue_dma source(%dma_start3A_349 : memref<32x128xf32, #tpu.memory_space<hbm>>) target(%dma_start3A_347 : memref<32x128xf32, #tpu.memory_space<vmem>>) target_semaphore(%arg10 : memref<!tpu.dma_semaphore, #tpu.memory_space<semaphore_mem>>)
      %dma_wait3A_350 = arith.constant 3 : i32
      %dma_wait3A_351 = arith.constant 0 : i32
      %dma_wait3A_352 = arith.constant 0 : i32
      %dma_wait3A_353 = tpu.memref_slice %arg6[%dma_wait3A_350, %dma_wait3A_351, %dma_wait3A_352] : memref<8x32x128xf32, #tpu.memory_space<vmem>> -> memref<1x32x128xf32, #tpu.memory_space<vmem>>
      %dma_wait3A_354 = tpu.memref_squeeze %dma_wait3A_353 : memref<1x32x128xf32, #tpu.memory_space<vmem>> -> memref<32x128xf32, #tpu.memory_space<vmem>>
      %dma_wait3A_355 = arith.constant 0 : i32
      %dma_wait3A_356 = arith.constant 0 : i32
      %dma_wait3A_357 = tpu.memref_slice %arg3[%dma_wait3A_355, %dma_wait3A_356] : memref<32x1000000xf32, #tpu.memory_space<hbm>> -> memref<32x128xf32, #tpu.memory_space<hbm>>
      %dma_wait3A_358 = arith.constant 0 : i32
      %dma_wait3A_359 = arith.constant 0 : i32
      %dma_wait3A_360 = tpu.memref_slice %arg6[%dma_wait3A_350, %dma_wait3A_358, %dma_wait3A_359] : memref<8x32x128xf32, #tpu.memory_space<vmem>> -> memref<1x32x128xf32, #tpu.memory_space<vmem>>
      %dma_wait3A_361 = tpu.memref_squeeze %dma_wait3A_360 : memref<1x32x128xf32, #tpu.memory_space<vmem>> -> memref<32x128xf32, #tpu.memory_space<vmem>>
      %dma_wait3A_362 = arith.constant 0 : i32
      %dma_wait3A_363 = arith.constant 0 : i32
      %dma_wait3A_364 = tpu.memref_slice %arg3[%dma_wait3A_362, %dma_wait3A_363] : memref<32x1000000xf32, #tpu.memory_space<hbm>> -> memref<32x128xf32, #tpu.memory_space<hbm>>
      tpu.wait_dma2 semaphore(%arg11 : memref<!tpu.dma_semaphore, #tpu.memory_space<semaphore_mem>>) src(%dma_wait3A_364 : memref<32x128xf32, #tpu.memory_space<hbm>>) dst(%dma_wait3A_361 : memref<32x128xf32, #tpu.memory_space<vmem>>)
      %slice3A_365 = vector.extract_strided_slice %get3A_14 {offsets = [3], sizes = [1], strides = [1]} : vector<16xi32> to vector<1xi32>
      %squeeze3A_366 = vector.extract %slice3A_365[0] : i32 from vector<1xi32>
      %and3A_367 = arith.constant 127 : i32
      %and3A_368 = arith.andi %squeeze3A_366, %and3A_367 : i32
      %broadcast_in_dim3A_369 = vector.broadcast %and3A_368 : i32 to vector<16xi32>
      %gather3A_370 = arith.constant 3 : i32
      %gather3A_371 = arith.constant 0 : i32
      %gather3A_372 = arith.constant 0 : i32
      %gather3A_373 = tpu.memref_slice %arg6[%gather3A_370, %gather3A_371, %gather3A_372] : memref<8x32x128xf32, #tpu.memory_space<vmem>> -> memref<1x32x128xf32, #tpu.memory_space<vmem>>
      %gather3A_374 = tpu.memref_squeeze %gather3A_373 : memref<1x32x128xf32, #tpu.memory_space<vmem>> -> memref<32x128xf32, #tpu.memory_space<vmem>>
      %gather3A_375 = tpu.vector_load_idx %gather3A_374[%iota3A, %broadcast_in_dim3A_369] : memref<32x128xf32, #tpu.memory_space<vmem>>[vector<16xi32>, vector<16xi32>], vector<16xf32>,
      %gather3A_376 = arith.constant 3 : i32
      %gather3A_377 = arith.constant 0 : i32
      %gather3A_378 = arith.constant 0 : i32
      %gather3A_379 = tpu.memref_slice %arg6[%gather3A_376, %gather3A_377, %gather3A_378] : memref<8x32x128xf32, #tpu.memory_space<vmem>> -> memref<1x32x128xf32, #tpu.memory_space<vmem>>
      %gather3A_380 = tpu.memref_squeeze %gather3A_379 : memref<1x32x128xf32, #tpu.memory_space<vmem>> -> memref<32x128xf32, #tpu.memory_space<vmem>>
      %gather3A_381 = tpu.vector_load_idx %gather3A_380[%add3A_5, %broadcast_in_dim3A_369] : memref<32x128xf32, #tpu.memory_space<vmem>>[vector<16xi32>, vector<16xi32>], vector<16xf32>,
      %add3A_382 = arith.constant 3 : i32
      %add3A_383 = arith.addi %mul3A_13, %add3A_382 : i32
      %swap3A_384 = arith.index_cast %add3A_383 : i32 to index
      %swap3A_385 = arith.constant 0 : index
      %swap3A_386 = tpu.vector_load %arg7[%swap3A_384, %swap3A_385] {strides = array<i32>} : memref<512x32xf32, #tpu.memory_space<vmem>>, vector<16xf32>,
      tpu.vector_store %arg7[%swap3A_384, %swap3A_385], %gather3A_375 {strides = array<i32>} : memref<512x32xf32, #tpu.memory_space<vmem>>, vector<16xf32>,
      %add3A_387 = arith.constant 3 : i32
      %add3A_388 = arith.addi %mul3A_13, %add3A_387 : i32
      %swap3A_389 = arith.index_cast %add3A_388 : i32 to index
      %swap3A_390 = arith.constant 16 : index
      %swap3A_391 = tpu.vector_load %arg7[%swap3A_389, %swap3A_390] {strides = array<i32>} : memref<512x32xf32, #tpu.memory_space<vmem>>, vector<16xf32>,
      tpu.vector_store %arg7[%swap3A_389, %swap3A_390], %gather3A_381 {strides = array<i32>} : memref<512x32xf32, #tpu.memory_space<vmem>>, vector<16xf32>,
      %slice3A_392 = vector.extract_strided_slice %get3A_14 {offsets = [11], sizes = [1], strides = [1]} : vector<16xi32> to vector<1xi32>
      %squeeze3A_393 = vector.extract %slice3A_392[0] : i32 from vector<1xi32>
      %shift_right_arithmetic3A_394 = arith.constant 7 : i32
      %shift_right_arithmetic3A_395 = arith.shrsi %squeeze3A_393, %shift_right_arithmetic3A_394 : i32
      %shift_left3A_396 = arith.constant 7 : i32
      %shift_left3A_397 = arith.shli %shift_right_arithmetic3A_395, %shift_left3A_396 : i32
      %multiple_of3A_398 = tpu.assume_multiple %shift_left3A_397, 128 : i32
      %dma_start3A_399 = arith.constant 3 : i32
      %dma_start3A_400 = arith.constant 0 : i32
      %dma_start3A_401 = arith.constant 0 : i32
      %dma_start3A_402 = tpu.memref_slice %arg6[%dma_start3A_399, %dma_start3A_400, %dma_start3A_401] : memref<8x32x128xf32, #tpu.memory_space<vmem>> -> memref<1x32x128xf32, #tpu.memory_space<vmem>>
      %dma_start3A_403 = tpu.memref_squeeze %dma_start3A_402 : memref<1x32x128xf32, #tpu.memory_space<vmem>> -> memref<32x128xf32, #tpu.memory_space<vmem>>
      %dma_start3A_404 = arith.constant 0 : i32
      %dma_start3A_405 = tpu.memref_slice %arg3[%dma_start3A_404, %multiple_of3A_398] : memref<32x1000000xf32, #tpu.memory_space<hbm>> -> memref<32x128xf32, #tpu.memory_space<hbm>>
      %dma_start3A_406 = arith.constant 0 : i32
      %dma_start3A_407 = arith.constant 0 : i32
      %dma_start3A_408 = tpu.memref_slice %arg6[%dma_start3A_399, %dma_start3A_406, %dma_start3A_407] : memref<8x32x128xf32, #tpu.memory_space<vmem>> -> memref<1x32x128xf32, #tpu.memory_space<vmem>>
      %dma_start3A_409 = tpu.memref_squeeze %dma_start3A_408 : memref<1x32x128xf32, #tpu.memory_space<vmem>> -> memref<32x128xf32, #tpu.memory_space<vmem>>
      %dma_start3A_410 = arith.constant 0 : i32
      %dma_start3A_411 = tpu.memref_slice %arg3[%dma_start3A_410, %multiple_of3A_398] : memref<32x1000000xf32, #tpu.memory_space<hbm>> -> memref<32x128xf32, #tpu.memory_space<hbm>>
      tpu.enqueue_dma source(%dma_start3A_411 : memref<32x128xf32, #tpu.memory_space<hbm>>) target(%dma_start3A_409 : memref<32x128xf32, #tpu.memory_space<vmem>>) target_semaphore(%arg11 : memref<!tpu.dma_semaphore, #tpu.memory_space<semaphore_mem>>)
      %dma_wait3A_412 = arith.constant 4 : i32
      %dma_wait3A_413 = arith.constant 0 : i32
      %dma_wait3A_414 = arith.constant 0 : i32
      %dma_wait3A_415 = tpu.memref_slice %arg6[%dma_wait3A_412, %dma_wait3A_413, %dma_wait3A_414] : memref<8x32x128xf32, #tpu.memory_space<vmem>> -> memref<1x32x128xf32, #tpu.memory_space<vmem>>
      %dma_wait3A_416 = tpu.memref_squeeze %dma_wait3A_415 : memref<1x32x128xf32, #tpu.memory_space<vmem>> -> memref<32x128xf32, #tpu.memory_space<vmem>>
      %dma_wait3A_417 = arith.constant 0 : i32
      %dma_wait3A_418 = arith.constant 0 : i32
      %dma_wait3A_419 = tpu.memref_slice %arg3[%dma_wait3A_417, %dma_wait3A_418] : memref<32x1000000xf32, #tpu.memory_space<hbm>> -> memref<32x128xf32, #tpu.memory_space<hbm>>
      %dma_wait3A_420 = arith.constant 0 : i32
      %dma_wait3A_421 = arith.constant 0 : i32
      %dma_wait3A_422 = tpu.memref_slice %arg6[%dma_wait3A_412, %dma_wait3A_420, %dma_wait3A_421] : memref<8x32x128xf32, #tpu.memory_space<vmem>> -> memref<1x32x128xf32, #tpu.memory_space<vmem>>
      %dma_wait3A_423 = tpu.memref_squeeze %dma_wait3A_422 : memref<1x32x128xf32, #tpu.memory_space<vmem>> -> memref<32x128xf32, #tpu.memory_space<vmem>>
      %dma_wait3A_424 = arith.constant 0 : i32
      %dma_wait3A_425 = arith.constant 0 : i32
      %dma_wait3A_426 = tpu.memref_slice %arg3[%dma_wait3A_424, %dma_wait3A_425] : memref<32x1000000xf32, #tpu.memory_space<hbm>> -> memref<32x128xf32, #tpu.memory_space<hbm>>
      tpu.wait_dma2 semaphore(%arg12 : memref<!tpu.dma_semaphore, #tpu.memory_space<semaphore_mem>>) src(%dma_wait3A_426 : memref<32x128xf32, #tpu.memory_space<hbm>>) dst(%dma_wait3A_423 : memref<32x128xf32, #tpu.memory_space<vmem>>)
      %slice3A_427 = vector.extract_strided_slice %get3A_14 {offsets = [4], sizes = [1], strides = [1]} : vector<16xi32> to vector<1xi32>
      %squeeze3A_428 = vector.extract %slice3A_427[0] : i32 from vector<1xi32>
      %and3A_429 = arith.constant 127 : i32
      %and3A_430 = arith.andi %squeeze3A_428, %and3A_429 : i32
      %broadcast_in_dim3A_431 = vector.broadcast %and3A_430 : i32 to vector<16xi32>
      %gather3A_432 = arith.constant 4 : i32
      %gather3A_433 = arith.constant 0 : i32
      %gather3A_434 = arith.constant 0 : i32
      %gather3A_435 = tpu.memref_slice %arg6[%gather3A_432, %gather3A_433, %gather3A_434] : memref<8x32x128xf32, #tpu.memory_space<vmem>> -> memref<1x32x128xf32, #tpu.memory_space<vmem>>
      %gather3A_436 = tpu.memref_squeeze %gather3A_435 : memref<1x32x128xf32, #tpu.memory_space<vmem>> -> memref<32x128xf32, #tpu.memory_space<vmem>>
      %gather3A_437 = tpu.vector_load_idx %gather3A_436[%iota3A, %broadcast_in_dim3A_431] : memref<32x128xf32, #tpu.memory_space<vmem>>[vector<16xi32>, vector<16xi32>], vector<16xf32>,
      %gather3A_438 = arith.constant 4 : i32
      %gather3A_439 = arith.constant 0 : i32
      %gather3A_440 = arith.constant 0 : i32
      %gather3A_441 = tpu.memref_slice %arg6[%gather3A_438, %gather3A_439, %gather3A_440] : memref<8x32x128xf32, #tpu.memory_space<vmem>> -> memref<1x32x128xf32, #tpu.memory_space<vmem>>
      %gather3A_442 = tpu.memref_squeeze %gather3A_441 : memref<1x32x128xf32, #tpu.memory_space<vmem>> -> memref<32x128xf32, #tpu.memory_space<vmem>>
      %gather3A_443 = tpu.vector_load_idx %gather3A_442[%add3A_5, %broadcast_in_dim3A_431] : memref<32x128xf32, #tpu.memory_space<vmem>>[vector<16xi32>, vector<16xi32>], vector<16xf32>,
      %add3A_444 = arith.constant 4 : i32
      %add3A_445 = arith.addi %mul3A_13, %add3A_444 : i32
      %swap3A_446 = arith.index_cast %add3A_445 : i32 to index
      %swap3A_447 = arith.constant 0 : index
      %swap3A_448 = tpu.vector_load %arg7[%swap3A_446, %swap3A_447] {strides = array<i32>} : memref<512x32xf32, #tpu.memory_space<vmem>>, vector<16xf32>,
      tpu.vector_store %arg7[%swap3A_446, %swap3A_447], %gather3A_437 {strides = array<i32>} : memref<512x32xf32, #tpu.memory_space<vmem>>, vector<16xf32>,
      %add3A_449 = arith.constant 4 : i32
      %add3A_450 = arith.addi %mul3A_13, %add3A_449 : i32
      %swap3A_451 = arith.index_cast %add3A_450 : i32 to index
      %swap3A_452 = arith.constant 16 : index
      %swap3A_453 = tpu.vector_load %arg7[%swap3A_451, %swap3A_452] {strides = array<i32>} : memref<512x32xf32, #tpu.memory_space<vmem>>, vector<16xf32>,
      tpu.vector_store %arg7[%swap3A_451, %swap3A_452], %gather3A_443 {strides = array<i32>} : memref<512x32xf32, #tpu.memory_space<vmem>>, vector<16xf32>,
      %slice3A_454 = vector.extract_strided_slice %get3A_14 {offsets = [12], sizes = [1], strides = [1]} : vector<16xi32> to vector<1xi32>
      %squeeze3A_455 = vector.extract %slice3A_454[0] : i32 from vector<1xi32>
      %shift_right_arithmetic3A_456 = arith.constant 7 : i32
      %shift_right_arithmetic3A_457 = arith.shrsi %squeeze3A_455, %shift_right_arithmetic3A_456 : i32
      %shift_left3A_458 = arith.constant 7 : i32
      %shift_left3A_459 = arith.shli %shift_right_arithmetic3A_457, %shift_left3A_458 : i32
      %multiple_of3A_460 = tpu.assume_multiple %shift_left3A_459, 128 : i32
      %dma_start3A_461 = arith.constant 4 : i32
      %dma_start3A_462 = arith.constant 0 : i32
      %dma_start3A_463 = arith.constant 0 : i32
      %dma_start3A_464 = tpu.memref_slice %arg6[%dma_start3A_461, %dma_start3A_462, %dma_start3A_463] : memref<8x32x128xf32, #tpu.memory_space<vmem>> -> memref<1x32x128xf32, #tpu.memory_space<vmem>>
      %dma_start3A_465 = tpu.memref_squeeze %dma_start3A_464 : memref<1x32x128xf32, #tpu.memory_space<vmem>> -> memref<32x128xf32, #tpu.memory_space<vmem>>
      %dma_start3A_466 = arith.constant 0 : i32
      %dma_start3A_467 = tpu.memref_slice %arg3[%dma_start3A_466, %multiple_of3A_460] : memref<32x1000000xf32, #tpu.memory_space<hbm>> -> memref<32x128xf32, #tpu.memory_space<hbm>>
      %dma_start3A_468 = arith.constant 0 : i32
      %dma_start3A_469 = arith.constant 0 : i32
      %dma_start3A_470 = tpu.memref_slice %arg6[%dma_start3A_461, %dma_start3A_468, %dma_start3A_469] : memref<8x32x128xf32, #tpu.memory_space<vmem>> -> memref<1x32x128xf32, #tpu.memory_space<vmem>>
      %dma_start3A_471 = tpu.memref_squeeze %dma_start3A_470 : memref<1x32x128xf32, #tpu.memory_space<vmem>> -> memref<32x128xf32, #tpu.memory_space<vmem>>
      %dma_start3A_472 = arith.constant 0 : i32
      %dma_start3A_473 = tpu.memref_slice %arg3[%dma_start3A_472, %multiple_of3A_460] : memref<32x1000000xf32, #tpu.memory_space<hbm>> -> memref<32x128xf32, #tpu.memory_space<hbm>>
      tpu.enqueue_dma source(%dma_start3A_473 : memref<32x128xf32, #tpu.memory_space<hbm>>) target(%dma_start3A_471 : memref<32x128xf32, #tpu.memory_space<vmem>>) target_semaphore(%arg12 : memref<!tpu.dma_semaphore, #tpu.memory_space<semaphore_mem>>)
      %dma_wait3A_474 = arith.constant 5 : i32
      %dma_wait3A_475 = arith.constant 0 : i32
      %dma_wait3A_476 = arith.constant 0 : i32
      %dma_wait3A_477 = tpu.memref_slice %arg6[%dma_wait3A_474, %dma_wait3A_475, %dma_wait3A_476] : memref<8x32x128xf32, #tpu.memory_space<vmem>> -> memref<1x32x128xf32, #tpu.memory_space<vmem>>
      %dma_wait3A_478 = tpu.memref_squeeze %dma_wait3A_477 : memref<1x32x128xf32, #tpu.memory_space<vmem>> -> memref<32x128xf32, #tpu.memory_space<vmem>>
      %dma_wait3A_479 = arith.constant 0 : i32
      %dma_wait3A_480 = arith.constant 0 : i32
      %dma_wait3A_481 = tpu.memref_slice %arg3[%dma_wait3A_479, %dma_wait3A_480] : memref<32x1000000xf32, #tpu.memory_space<hbm>> -> memref<32x128xf32, #tpu.memory_space<hbm>>
      %dma_wait3A_482 = arith.constant 0 : i32
      %dma_wait3A_483 = arith.constant 0 : i32
      %dma_wait3A_484 = tpu.memref_slice %arg6[%dma_wait3A_474, %dma_wait3A_482, %dma_wait3A_483] : memref<8x32x128xf32, #tpu.memory_space<vmem>> -> memref<1x32x128xf32, #tpu.memory_space<vmem>>
      %dma_wait3A_485 = tpu.memref_squeeze %dma_wait3A_484 : memref<1x32x128xf32, #tpu.memory_space<vmem>> -> memref<32x128xf32, #tpu.memory_space<vmem>>
      %dma_wait3A_486 = arith.constant 0 : i32
      %dma_wait3A_487 = arith.constant 0 : i32
      %dma_wait3A_488 = tpu.memref_slice %arg3[%dma_wait3A_486, %dma_wait3A_487] : memref<32x1000000xf32, #tpu.memory_space<hbm>> -> memref<32x128xf32, #tpu.memory_space<hbm>>
      tpu.wait_dma2 semaphore(%arg13 : memref<!tpu.dma_semaphore, #tpu.memory_space<semaphore_mem>>) src(%dma_wait3A_488 : memref<32x128xf32, #tpu.memory_space<hbm>>) dst(%dma_wait3A_485 : memref<32x128xf32, #tpu.memory_space<vmem>>)
      %slice3A_489 = vector.extract_strided_slice %get3A_14 {offsets = [5], sizes = [1], strides = [1]} : vector<16xi32> to vector<1xi32>
      %squeeze3A_490 = vector.extract %slice3A_489[0] : i32 from vector<1xi32>
      %and3A_491 = arith.constant 127 : i32
      %and3A_492 = arith.andi %squeeze3A_490, %and3A_491 : i32
      %broadcast_in_dim3A_493 = vector.broadcast %and3A_492 : i32 to vector<16xi32>
      %gather3A_494 = arith.constant 5 : i32
      %gather3A_495 = arith.constant 0 : i32
      %gather3A_496 = arith.constant 0 : i32
      %gather3A_497 = tpu.memref_slice %arg6[%gather3A_494, %gather3A_495, %gather3A_496] : memref<8x32x128xf32, #tpu.memory_space<vmem>> -> memref<1x32x128xf32, #tpu.memory_space<vmem>>
      %gather3A_498 = tpu.memref_squeeze %gather3A_497 : memref<1x32x128xf32, #tpu.memory_space<vmem>> -> memref<32x128xf32, #tpu.memory_space<vmem>>
      %gather3A_499 = tpu.vector_load_idx %gather3A_498[%iota3A, %broadcast_in_dim3A_493] : memref<32x128xf32, #tpu.memory_space<vmem>>[vector<16xi32>, vector<16xi32>], vector<16xf32>,
      %gather3A_500 = arith.constant 5 : i32
      %gather3A_501 = arith.constant 0 : i32
      %gather3A_502 = arith.constant 0 : i32
      %gather3A_503 = tpu.memref_slice %arg6[%gather3A_500, %gather3A_501, %gather3A_502] : memref<8x32x128xf32, #tpu.memory_space<vmem>> -> memref<1x32x128xf32, #tpu.memory_space<vmem>>
      %gather3A_504 = tpu.memref_squeeze %gather3A_503 : memref<1x32x128xf32, #tpu.memory_space<vmem>> -> memref<32x128xf32, #tpu.memory_space<vmem>>
      %gather3A_505 = tpu.vector_load_idx %gather3A_504[%add3A_5, %broadcast_in_dim3A_493] : memref<32x128xf32, #tpu.memory_space<vmem>>[vector<16xi32>, vector<16xi32>], vector<16xf32>,
      %add3A_506 = arith.constant 5 : i32
      %add3A_507 = arith.addi %mul3A_13, %add3A_506 : i32
      %swap3A_508 = arith.index_cast %add3A_507 : i32 to index
      %swap3A_509 = arith.constant 0 : index
      %swap3A_510 = tpu.vector_load %arg7[%swap3A_508, %swap3A_509] {strides = array<i32>} : memref<512x32xf32, #tpu.memory_space<vmem>>, vector<16xf32>,
      tpu.vector_store %arg7[%swap3A_508, %swap3A_509], %gather3A_499 {strides = array<i32>} : memref<512x32xf32, #tpu.memory_space<vmem>>, vector<16xf32>,
      %add3A_511 = arith.constant 5 : i32
      %add3A_512 = arith.addi %mul3A_13, %add3A_511 : i32
      %swap3A_513 = arith.index_cast %add3A_512 : i32 to index
      %swap3A_514 = arith.constant 16 : index
      %swap3A_515 = tpu.vector_load %arg7[%swap3A_513, %swap3A_514] {strides = array<i32>} : memref<512x32xf32, #tpu.memory_space<vmem>>, vector<16xf32>,
      tpu.vector_store %arg7[%swap3A_513, %swap3A_514], %gather3A_505 {strides = array<i32>} : memref<512x32xf32, #tpu.memory_space<vmem>>, vector<16xf32>,
      %slice3A_516 = vector.extract_strided_slice %get3A_14 {offsets = [13], sizes = [1], strides = [1]} : vector<16xi32> to vector<1xi32>
      %squeeze3A_517 = vector.extract %slice3A_516[0] : i32 from vector<1xi32>
      %shift_right_arithmetic3A_518 = arith.constant 7 : i32
      %shift_right_arithmetic3A_519 = arith.shrsi %squeeze3A_517, %shift_right_arithmetic3A_518 : i32
      %shift_left3A_520 = arith.constant 7 : i32
      %shift_left3A_521 = arith.shli %shift_right_arithmetic3A_519, %shift_left3A_520 : i32
      %multiple_of3A_522 = tpu.assume_multiple %shift_left3A_521, 128 : i32
      %dma_start3A_523 = arith.constant 5 : i32
      %dma_start3A_524 = arith.constant 0 : i32
      %dma_start3A_525 = arith.constant 0 : i32
      %dma_start3A_526 = tpu.memref_slice %arg6[%dma_start3A_523, %dma_start3A_524, %dma_start3A_525] : memref<8x32x128xf32, #tpu.memory_space<vmem>> -> memref<1x32x128xf32, #tpu.memory_space<vmem>>
      %dma_start3A_527 = tpu.memref_squeeze %dma_start3A_526 : memref<1x32x128xf32, #tpu.memory_space<vmem>> -> memref<32x128xf32, #tpu.memory_space<vmem>>
      %dma_start3A_528 = arith.constant 0 : i32
      %dma_start3A_529 = tpu.memref_slice %arg3[%dma_start3A_528, %multiple_of3A_522] : memref<32x1000000xf32, #tpu.memory_space<hbm>> -> memref<32x128xf32, #tpu.memory_space<hbm>>
      %dma_start3A_530 = arith.constant 0 : i32
      %dma_start3A_531 = arith.constant 0 : i32
      %dma_start3A_532 = tpu.memref_slice %arg6[%dma_start3A_523, %dma_start3A_530, %dma_start3A_531] : memref<8x32x128xf32, #tpu.memory_space<vmem>> -> memref<1x32x128xf32, #tpu.memory_space<vmem>>
      %dma_start3A_533 = tpu.memref_squeeze %dma_start3A_532 : memref<1x32x128xf32, #tpu.memory_space<vmem>> -> memref<32x128xf32, #tpu.memory_space<vmem>>
      %dma_start3A_534 = arith.constant 0 : i32
      %dma_start3A_535 = tpu.memref_slice %arg3[%dma_start3A_534, %multiple_of3A_522] : memref<32x1000000xf32, #tpu.memory_space<hbm>> -> memref<32x128xf32, #tpu.memory_space<hbm>>
      tpu.enqueue_dma source(%dma_start3A_535 : memref<32x128xf32, #tpu.memory_space<hbm>>) target(%dma_start3A_533 : memref<32x128xf32, #tpu.memory_space<vmem>>) target_semaphore(%arg13 : memref<!tpu.dma_semaphore, #tpu.memory_space<semaphore_mem>>)
      %dma_wait3A_536 = arith.constant 6 : i32
      %dma_wait3A_537 = arith.constant 0 : i32
      %dma_wait3A_538 = arith.constant 0 : i32
      %dma_wait3A_539 = tpu.memref_slice %arg6[%dma_wait3A_536, %dma_wait3A_537, %dma_wait3A_538] : memref<8x32x128xf32, #tpu.memory_space<vmem>> -> memref<1x32x128xf32, #tpu.memory_space<vmem>>
      %dma_wait3A_540 = tpu.memref_squeeze %dma_wait3A_539 : memref<1x32x128xf32, #tpu.memory_space<vmem>> -> memref<32x128xf32, #tpu.memory_space<vmem>>
      %dma_wait3A_541 = arith.constant 0 : i32
      %dma_wait3A_542 = arith.constant 0 : i32
      %dma_wait3A_543 = tpu.memref_slice %arg3[%dma_wait3A_541, %dma_wait3A_542] : memref<32x1000000xf32, #tpu.memory_space<hbm>> -> memref<32x128xf32, #tpu.memory_space<hbm>>
      %dma_wait3A_544 = arith.constant 0 : i32
      %dma_wait3A_545 = arith.constant 0 : i32
      %dma_wait3A_546 = tpu.memref_slice %arg6[%dma_wait3A_536, %dma_wait3A_544, %dma_wait3A_545] : memref<8x32x128xf32, #tpu.memory_space<vmem>> -> memref<1x32x128xf32, #tpu.memory_space<vmem>>
      %dma_wait3A_547 = tpu.memref_squeeze %dma_wait3A_546 : memref<1x32x128xf32, #tpu.memory_space<vmem>> -> memref<32x128xf32, #tpu.memory_space<vmem>>
      %dma_wait3A_548 = arith.constant 0 : i32
      %dma_wait3A_549 = arith.constant 0 : i32
      %dma_wait3A_550 = tpu.memref_slice %arg3[%dma_wait3A_548, %dma_wait3A_549] : memref<32x1000000xf32, #tpu.memory_space<hbm>> -> memref<32x128xf32, #tpu.memory_space<hbm>>
      tpu.wait_dma2 semaphore(%arg14 : memref<!tpu.dma_semaphore, #tpu.memory_space<semaphore_mem>>) src(%dma_wait3A_550 : memref<32x128xf32, #tpu.memory_space<hbm>>) dst(%dma_wait3A_547 : memref<32x128xf32, #tpu.memory_space<vmem>>)
      %slice3A_551 = vector.extract_strided_slice %get3A_14 {offsets = [6], sizes = [1], strides = [1]} : vector<16xi32> to vector<1xi32>
      %squeeze3A_552 = vector.extract %slice3A_551[0] : i32 from vector<1xi32>
      %and3A_553 = arith.constant 127 : i32
      %and3A_554 = arith.andi %squeeze3A_552, %and3A_553 : i32
      %broadcast_in_dim3A_555 = vector.broadcast %and3A_554 : i32 to vector<16xi32>
      %gather3A_556 = arith.constant 6 : i32
      %gather3A_557 = arith.constant 0 : i32
      %gather3A_558 = arith.constant 0 : i32
      %gather3A_559 = tpu.memref_slice %arg6[%gather3A_556, %gather3A_557, %gather3A_558] : memref<8x32x128xf32, #tpu.memory_space<vmem>> -> memref<1x32x128xf32, #tpu.memory_space<vmem>>
      %gather3A_560 = tpu.memref_squeeze %gather3A_559 : memref<1x32x128xf32, #tpu.memory_space<vmem>> -> memref<32x128xf32, #tpu.memory_space<vmem>>
      %gather3A_561 = tpu.vector_load_idx %gather3A_560[%iota3A, %broadcast_in_dim3A_555] : memref<32x128xf32, #tpu.memory_space<vmem>>[vector<16xi32>, vector<16xi32>], vector<16xf32>,
      %gather3A_562 = arith.constant 6 : i32
      %gather3A_563 = arith.constant 0 : i32
      %gather3A_564 = arith.constant 0 : i32
      %gather3A_565 = tpu.memref_slice %arg6[%gather3A_562, %gather3A_563, %gather3A_564] : memref<8x32x128xf32, #tpu.memory_space<vmem>> -> memref<1x32x128xf32, #tpu.memory_space<vmem>>
      %gather3A_566 = tpu.memref_squeeze %gather3A_565 : memref<1x32x128xf32, #tpu.memory_space<vmem>> -> memref<32x128xf32, #tpu.memory_space<vmem>>
      %gather3A_567 = tpu.vector_load_idx %gather3A_566[%add3A_5, %broadcast_in_dim3A_555] : memref<32x128xf32, #tpu.memory_space<vmem>>[vector<16xi32>, vector<16xi32>], vector<16xf32>,
      %add3A_568 = arith.constant 6 : i32
      %add3A_569 = arith.addi %mul3A_13, %add3A_568 : i32
      %swap3A_570 = arith.index_cast %add3A_569 : i32 to index
      %swap3A_571 = arith.constant 0 : index
      %swap3A_572 = tpu.vector_load %arg7[%swap3A_570, %swap3A_571] {strides = array<i32>} : memref<512x32xf32, #tpu.memory_space<vmem>>, vector<16xf32>,
      tpu.vector_store %arg7[%swap3A_570, %swap3A_571], %gather3A_561 {strides = array<i32>} : memref<512x32xf32, #tpu.memory_space<vmem>>, vector<16xf32>,
      %add3A_573 = arith.constant 6 : i32
      %add3A_574 = arith.addi %mul3A_13, %add3A_573 : i32
      %swap3A_575 = arith.index_cast %add3A_574 : i32 to index
      %swap3A_576 = arith.constant 16 : index
      %swap3A_577 = tpu.vector_load %arg7[%swap3A_575, %swap3A_576] {strides = array<i32>} : memref<512x32xf32, #tpu.memory_space<vmem>>, vector<16xf32>,
      tpu.vector_store %arg7[%swap3A_575, %swap3A_576], %gather3A_567 {strides = array<i32>} : memref<512x32xf32, #tpu.memory_space<vmem>>, vector<16xf32>,
      %slice3A_578 = vector.extract_strided_slice %get3A_14 {offsets = [14], sizes = [1], strides = [1]} : vector<16xi32> to vector<1xi32>
      %squeeze3A_579 = vector.extract %slice3A_578[0] : i32 from vector<1xi32>
      %shift_right_arithmetic3A_580 = arith.constant 7 : i32
      %shift_right_arithmetic3A_581 = arith.shrsi %squeeze3A_579, %shift_right_arithmetic3A_580 : i32
      %shift_left3A_582 = arith.constant 7 : i32
      %shift_left3A_583 = arith.shli %shift_right_arithmetic3A_581, %shift_left3A_582 : i32
      %multiple_of3A_584 = tpu.assume_multiple %shift_left3A_583, 128 : i32
      %dma_start3A_585 = arith.constant 6 : i32
      %dma_start3A_586 = arith.constant 0 : i32
      %dma_start3A_587 = arith.constant 0 : i32
      %dma_start3A_588 = tpu.memref_slice %arg6[%dma_start3A_585, %dma_start3A_586, %dma_start3A_587] : memref<8x32x128xf32, #tpu.memory_space<vmem>> -> memref<1x32x128xf32, #tpu.memory_space<vmem>>
      %dma_start3A_589 = tpu.memref_squeeze %dma_start3A_588 : memref<1x32x128xf32, #tpu.memory_space<vmem>> -> memref<32x128xf32, #tpu.memory_space<vmem>>
      %dma_start3A_590 = arith.constant 0 : i32
      %dma_start3A_591 = tpu.memref_slice %arg3[%dma_start3A_590, %multiple_of3A_584] : memref<32x1000000xf32, #tpu.memory_space<hbm>> -> memref<32x128xf32, #tpu.memory_space<hbm>>
      %dma_start3A_592 = arith.constant 0 : i32
      %dma_start3A_593 = arith.constant 0 : i32
      %dma_start3A_594 = tpu.memref_slice %arg6[%dma_start3A_585, %dma_start3A_592, %dma_start3A_593] : memref<8x32x128xf32, #tpu.memory_space<vmem>> -> memref<1x32x128xf32, #tpu.memory_space<vmem>>
      %dma_start3A_595 = tpu.memref_squeeze %dma_start3A_594 : memref<1x32x128xf32, #tpu.memory_space<vmem>> -> memref<32x128xf32, #tpu.memory_space<vmem>>
      %dma_start3A_596 = arith.constant 0 : i32
      %dma_start3A_597 = tpu.memref_slice %arg3[%dma_start3A_596, %multiple_of3A_584] : memref<32x1000000xf32, #tpu.memory_space<hbm>> -> memref<32x128xf32, #tpu.memory_space<hbm>>
      tpu.enqueue_dma source(%dma_start3A_597 : memref<32x128xf32, #tpu.memory_space<hbm>>) target(%dma_start3A_595 : memref<32x128xf32, #tpu.memory_space<vmem>>) target_semaphore(%arg14 : memref<!tpu.dma_semaphore, #tpu.memory_space<semaphore_mem>>)
      %dma_wait3A_598 = arith.constant 7 : i32
      %dma_wait3A_599 = arith.constant 0 : i32
      %dma_wait3A_600 = arith.constant 0 : i32
      %dma_wait3A_601 = tpu.memref_slice %arg6[%dma_wait3A_598, %dma_wait3A_599, %dma_wait3A_600] : memref<8x32x128xf32, #tpu.memory_space<vmem>> -> memref<1x32x128xf32, #tpu.memory_space<vmem>>
      %dma_wait3A_602 = tpu.memref_squeeze %dma_wait3A_601 : memref<1x32x128xf32, #tpu.memory_space<vmem>> -> memref<32x128xf32, #tpu.memory_space<vmem>>
      %dma_wait3A_603 = arith.constant 0 : i32
      %dma_wait3A_604 = arith.constant 0 : i32
      %dma_wait3A_605 = tpu.memref_slice %arg3[%dma_wait3A_603, %dma_wait3A_604] : memref<32x1000000xf32, #tpu.memory_space<hbm>> -> memref<32x128xf32, #tpu.memory_space<hbm>>
      %dma_wait3A_606 = arith.constant 0 : i32
      %dma_wait3A_607 = arith.constant 0 : i32
      %dma_wait3A_608 = tpu.memref_slice %arg6[%dma_wait3A_598, %dma_wait3A_606, %dma_wait3A_607] : memref<8x32x128xf32, #tpu.memory_space<vmem>> -> memref<1x32x128xf32, #tpu.memory_space<vmem>>
      %dma_wait3A_609 = tpu.memref_squeeze %dma_wait3A_608 : memref<1x32x128xf32, #tpu.memory_space<vmem>> -> memref<32x128xf32, #tpu.memory_space<vmem>>
      %dma_wait3A_610 = arith.constant 0 : i32
      %dma_wait3A_611 = arith.constant 0 : i32
      %dma_wait3A_612 = tpu.memref_slice %arg3[%dma_wait3A_610, %dma_wait3A_611] : memref<32x1000000xf32, #tpu.memory_space<hbm>> -> memref<32x128xf32, #tpu.memory_space<hbm>>
      tpu.wait_dma2 semaphore(%arg15 : memref<!tpu.dma_semaphore, #tpu.memory_space<semaphore_mem>>) src(%dma_wait3A_612 : memref<32x128xf32, #tpu.memory_space<hbm>>) dst(%dma_wait3A_609 : memref<32x128xf32, #tpu.memory_space<vmem>>)
      %slice3A_613 = vector.extract_strided_slice %get3A_14 {offsets = [7], sizes = [1], strides = [1]} : vector<16xi32> to vector<1xi32>
      %squeeze3A_614 = vector.extract %slice3A_613[0] : i32 from vector<1xi32>
      %and3A_615 = arith.constant 127 : i32
      %and3A_616 = arith.andi %squeeze3A_614, %and3A_615 : i32
      %broadcast_in_dim3A_617 = vector.broadcast %and3A_616 : i32 to vector<16xi32>
      %gather3A_618 = arith.constant 7 : i32
      %gather3A_619 = arith.constant 0 : i32
      %gather3A_620 = arith.constant 0 : i32
      %gather3A_621 = tpu.memref_slice %arg6[%gather3A_618, %gather3A_619, %gather3A_620] : memref<8x32x128xf32, #tpu.memory_space<vmem>> -> memref<1x32x128xf32, #tpu.memory_space<vmem>>
      %gather3A_622 = tpu.memref_squeeze %gather3A_621 : memref<1x32x128xf32, #tpu.memory_space<vmem>> -> memref<32x128xf32, #tpu.memory_space<vmem>>
      %gather3A_623 = tpu.vector_load_idx %gather3A_622[%iota3A, %broadcast_in_dim3A_617] : memref<32x128xf32, #tpu.memory_space<vmem>>[vector<16xi32>, vector<16xi32>], vector<16xf32>,
      %gather3A_624 = arith.constant 7 : i32
      %gather3A_625 = arith.constant 0 : i32
      %gather3A_626 = arith.constant 0 : i32
      %gather3A_627 = tpu.memref_slice %arg6[%gather3A_624, %gather3A_625, %gather3A_626] : memref<8x32x128xf32, #tpu.memory_space<vmem>> -> memref<1x32x128xf32, #tpu.memory_space<vmem>>
      %gather3A_628 = tpu.memref_squeeze %gather3A_627 : memref<1x32x128xf32, #tpu.memory_space<vmem>> -> memref<32x128xf32, #tpu.memory_space<vmem>>
      %gather3A_629 = tpu.vector_load_idx %gather3A_628[%add3A_5, %broadcast_in_dim3A_617] : memref<32x128xf32, #tpu.memory_space<vmem>>[vector<16xi32>, vector<16xi32>], vector<16xf32>,
      %add3A_630 = arith.constant 7 : i32
      %add3A_631 = arith.addi %mul3A_13, %add3A_630 : i32
      %swap3A_632 = arith.index_cast %add3A_631 : i32 to index
      %swap3A_633 = arith.constant 0 : index
      %swap3A_634 = tpu.vector_load %arg7[%swap3A_632, %swap3A_633] {strides = array<i32>} : memref<512x32xf32, #tpu.memory_space<vmem>>, vector<16xf32>,
      tpu.vector_store %arg7[%swap3A_632, %swap3A_633], %gather3A_623 {strides = array<i32>} : memref<512x32xf32, #tpu.memory_space<vmem>>, vector<16xf32>,
      %add3A_635 = arith.constant 7 : i32
      %add3A_636 = arith.addi %mul3A_13, %add3A_635 : i32
      %swap3A_637 = arith.index_cast %add3A_636 : i32 to index
      %swap3A_638 = arith.constant 16 : index
      %swap3A_639 = tpu.vector_load %arg7[%swap3A_637, %swap3A_638] {strides = array<i32>} : memref<512x32xf32, #tpu.memory_space<vmem>>, vector<16xf32>,
      tpu.vector_store %arg7[%swap3A_637, %swap3A_638], %gather3A_629 {strides = array<i32>} : memref<512x32xf32, #tpu.memory_space<vmem>>, vector<16xf32>,
      %slice3A_640 = vector.extract_strided_slice %get3A_14 {offsets = [15], sizes = [1], strides = [1]} : vector<16xi32> to vector<1xi32>
      %squeeze3A_641 = vector.extract %slice3A_640[0] : i32 from vector<1xi32>
      %shift_right_arithmetic3A_642 = arith.constant 7 : i32
      %shift_right_arithmetic3A_643 = arith.shrsi %squeeze3A_641, %shift_right_arithmetic3A_642 : i32
      %shift_left3A_644 = arith.constant 7 : i32
      %shift_left3A_645 = arith.shli %shift_right_arithmetic3A_643, %shift_left3A_644 : i32
      %multiple_of3A_646 = tpu.assume_multiple %shift_left3A_645, 128 : i32
      %dma_start3A_647 = arith.constant 7 : i32
      %dma_start3A_648 = arith.constant 0 : i32
      %dma_start3A_649 = arith.constant 0 : i32
      %dma_start3A_650 = tpu.memref_slice %arg6[%dma_start3A_647, %dma_start3A_648, %dma_start3A_649] : memref<8x32x128xf32, #tpu.memory_space<vmem>> -> memref<1x32x128xf32, #tpu.memory_space<vmem>>
      %dma_start3A_651 = tpu.memref_squeeze %dma_start3A_650 : memref<1x32x128xf32, #tpu.memory_space<vmem>> -> memref<32x128xf32, #tpu.memory_space<vmem>>
      %dma_start3A_652 = arith.constant 0 : i32
      %dma_start3A_653 = tpu.memref_slice %arg3[%dma_start3A_652, %multiple_of3A_646] : memref<32x1000000xf32, #tpu.memory_space<hbm>> -> memref<32x128xf32, #tpu.memory_space<hbm>>
      %dma_start3A_654 = arith.constant 0 : i32
      %dma_start3A_655 = arith.constant 0 : i32
      %dma_start3A_656 = tpu.memref_slice %arg6[%dma_start3A_647, %dma_start3A_654, %dma_start3A_655] : memref<8x32x128xf32, #tpu.memory_space<vmem>> -> memref<1x32x128xf32, #tpu.memory_space<vmem>>
      %dma_start3A_657 = tpu.memref_squeeze %dma_start3A_656 : memref<1x32x128xf32, #tpu.memory_space<vmem>> -> memref<32x128xf32, #tpu.memory_space<vmem>>
      %dma_start3A_658 = arith.constant 0 : i32
      %dma_start3A_659 = tpu.memref_slice %arg3[%dma_start3A_658, %multiple_of3A_646] : memref<32x1000000xf32, #tpu.memory_space<hbm>> -> memref<32x128xf32, #tpu.memory_space<hbm>>
      tpu.enqueue_dma source(%dma_start3A_659 : memref<32x128xf32, #tpu.memory_space<hbm>>) target(%dma_start3A_657 : memref<32x128xf32, #tpu.memory_space<vmem>>) target_semaphore(%arg15 : memref<!tpu.dma_semaphore, #tpu.memory_space<semaphore_mem>>)
      %dma_wait3A_660 = arith.constant 0 : i32
      %dma_wait3A_661 = arith.constant 0 : i32
      %dma_wait3A_662 = arith.constant 0 : i32
      %dma_wait3A_663 = tpu.memref_slice %arg6[%dma_wait3A_660, %dma_wait3A_661, %dma_wait3A_662] : memref<8x32x128xf32, #tpu.memory_space<vmem>> -> memref<1x32x128xf32, #tpu.memory_space<vmem>>
      %dma_wait3A_664 = tpu.memref_squeeze %dma_wait3A_663 : memref<1x32x128xf32, #tpu.memory_space<vmem>> -> memref<32x128xf32, #tpu.memory_space<vmem>>
      %dma_wait3A_665 = arith.constant 0 : i32
      %dma_wait3A_666 = arith.constant 0 : i32
      %dma_wait3A_667 = tpu.memref_slice %arg3[%dma_wait3A_665, %dma_wait3A_666] : memref<32x1000000xf32, #tpu.memory_space<hbm>> -> memref<32x128xf32, #tpu.memory_space<hbm>>
      %dma_wait3A_668 = arith.constant 0 : i32
      %dma_wait3A_669 = arith.constant 0 : i32
      %dma_wait3A_670 = tpu.memref_slice %arg6[%dma_wait3A_660, %dma_wait3A_668, %dma_wait3A_669] : memref<8x32x128xf32, #tpu.memory_space<vmem>> -> memref<1x32x128xf32, #tpu.memory_space<vmem>>
      %dma_wait3A_671 = tpu.memref_squeeze %dma_wait3A_670 : memref<1x32x128xf32, #tpu.memory_space<vmem>> -> memref<32x128xf32, #tpu.memory_space<vmem>>
      %dma_wait3A_672 = arith.constant 0 : i32
      %dma_wait3A_673 = arith.constant 0 : i32
      %dma_wait3A_674 = tpu.memref_slice %arg3[%dma_wait3A_672, %dma_wait3A_673] : memref<32x1000000xf32, #tpu.memory_space<hbm>> -> memref<32x128xf32, #tpu.memory_space<hbm>>
      tpu.wait_dma2 semaphore(%arg8 : memref<!tpu.dma_semaphore, #tpu.memory_space<semaphore_mem>>) src(%dma_wait3A_674 : memref<32x128xf32, #tpu.memory_space<hbm>>) dst(%dma_wait3A_671 : memref<32x128xf32, #tpu.memory_space<vmem>>)
      %slice3A_675 = vector.extract_strided_slice %get3A_14 {offsets = [8], sizes = [1], strides = [1]} : vector<16xi32> to vector<1xi32>
      %squeeze3A_676 = vector.extract %slice3A_675[0] : i32 from vector<1xi32>
      %and3A_677 = arith.constant 127 : i32
      %and3A_678 = arith.andi %squeeze3A_676, %and3A_677 : i32
      %broadcast_in_dim3A_679 = vector.broadcast %and3A_678 : i32 to vector<16xi32>
      %gather3A_680 = arith.constant 0 : i32
      %gather3A_681 = arith.constant 0 : i32
      %gather3A_682 = arith.constant 0 : i32
      %gather3A_683 = tpu.memref_slice %arg6[%gather3A_680, %gather3A_681, %gather3A_682] : memref<8x32x128xf32, #tpu.memory_space<vmem>> -> memref<1x32x128xf32, #tpu.memory_space<vmem>>
      %gather3A_684 = tpu.memref_squeeze %gather3A_683 : memref<1x32x128xf32, #tpu.memory_space<vmem>> -> memref<32x128xf32, #tpu.memory_space<vmem>>
      %gather3A_685 = tpu.vector_load_idx %gather3A_684[%iota3A, %broadcast_in_dim3A_679] : memref<32x128xf32, #tpu.memory_space<vmem>>[vector<16xi32>, vector<16xi32>], vector<16xf32>,
      %gather3A_686 = arith.constant 0 : i32
      %gather3A_687 = arith.constant 0 : i32
      %gather3A_688 = arith.constant 0 : i32
      %gather3A_689 = tpu.memref_slice %arg6[%gather3A_686, %gather3A_687, %gather3A_688] : memref<8x32x128xf32, #tpu.memory_space<vmem>> -> memref<1x32x128xf32, #tpu.memory_space<vmem>>
      %gather3A_690 = tpu.memref_squeeze %gather3A_689 : memref<1x32x128xf32, #tpu.memory_space<vmem>> -> memref<32x128xf32, #tpu.memory_space<vmem>>
      %gather3A_691 = tpu.vector_load_idx %gather3A_690[%add3A_5, %broadcast_in_dim3A_679] : memref<32x128xf32, #tpu.memory_space<vmem>>[vector<16xi32>, vector<16xi32>], vector<16xf32>,
      %add3A_692 = arith.constant 8 : i32
      %add3A_693 = arith.addi %mul3A_13, %add3A_692 : i32
      %swap3A_694 = arith.index_cast %add3A_693 : i32 to index
      %swap3A_695 = arith.constant 0 : index
      %swap3A_696 = tpu.vector_load %arg7[%swap3A_694, %swap3A_695] {strides = array<i32>} : memref<512x32xf32, #tpu.memory_space<vmem>>, vector<16xf32>,
      tpu.vector_store %arg7[%swap3A_694, %swap3A_695], %gather3A_685 {strides = array<i32>} : memref<512x32xf32, #tpu.memory_space<vmem>>, vector<16xf32>,
      %add3A_697 = arith.constant 8 : i32
      %add3A_698 = arith.addi %mul3A_13, %add3A_697 : i32
      %swap3A_699 = arith.index_cast %add3A_698 : i32 to index
      %swap3A_700 = arith.constant 16 : index
      %swap3A_701 = tpu.vector_load %arg7[%swap3A_699, %swap3A_700] {strides = array<i32>} : memref<512x32xf32, #tpu.memory_space<vmem>>, vector<16xf32>,
      tpu.vector_store %arg7[%swap3A_699, %swap3A_700], %gather3A_691 {strides = array<i32>} : memref<512x32xf32, #tpu.memory_space<vmem>>, vector<16xf32>,
      %dma_wait3A_702 = arith.constant 1 : i32
      %dma_wait3A_703 = arith.constant 0 : i32
      %dma_wait3A_704 = arith.constant 0 : i32
      %dma_wait3A_705 = tpu.memref_slice %arg6[%dma_wait3A_702, %dma_wait3A_703, %dma_wait3A_704] : memref<8x32x128xf32, #tpu.memory_space<vmem>> -> memref<1x32x128xf32, #tpu.memory_space<vmem>>
      %dma_wait3A_706 = tpu.memref_squeeze %dma_wait3A_705 : memref<1x32x128xf32, #tpu.memory_space<vmem>> -> memref<32x128xf32, #tpu.memory_space<vmem>>
      %dma_wait3A_707 = arith.constant 0 : i32
      %dma_wait3A_708 = arith.constant 0 : i32
      %dma_wait3A_709 = tpu.memref_slice %arg3[%dma_wait3A_707, %dma_wait3A_708] : memref<32x1000000xf32, #tpu.memory_space<hbm>> -> memref<32x128xf32, #tpu.memory_space<hbm>>
      %dma_wait3A_710 = arith.constant 0 : i32
      %dma_wait3A_711 = arith.constant 0 : i32
      %dma_wait3A_712 = tpu.memref_slice %arg6[%dma_wait3A_702, %dma_wait3A_710, %dma_wait3A_711] : memref<8x32x128xf32, #tpu.memory_space<vmem>> -> memref<1x32x128xf32, #tpu.memory_space<vmem>>
      %dma_wait3A_713 = tpu.memref_squeeze %dma_wait3A_712 : memref<1x32x128xf32, #tpu.memory_space<vmem>> -> memref<32x128xf32, #tpu.memory_space<vmem>>
      %dma_wait3A_714 = arith.constant 0 : i32
      %dma_wait3A_715 = arith.constant 0 : i32
      %dma_wait3A_716 = tpu.memref_slice %arg3[%dma_wait3A_714, %dma_wait3A_715] : memref<32x1000000xf32, #tpu.memory_space<hbm>> -> memref<32x128xf32, #tpu.memory_space<hbm>>
      tpu.wait_dma2 semaphore(%arg9 : memref<!tpu.dma_semaphore, #tpu.memory_space<semaphore_mem>>) src(%dma_wait3A_716 : memref<32x128xf32, #tpu.memory_space<hbm>>) dst(%dma_wait3A_713 : memref<32x128xf32, #tpu.memory_space<vmem>>)
      %slice3A_717 = vector.extract_strided_slice %get3A_14 {offsets = [9], sizes = [1], strides = [1]} : vector<16xi32> to vector<1xi32>
      %squeeze3A_718 = vector.extract %slice3A_717[0] : i32 from vector<1xi32>
      %and3A_719 = arith.constant 127 : i32
      %and3A_720 = arith.andi %squeeze3A_718, %and3A_719 : i32
      %broadcast_in_dim3A_721 = vector.broadcast %and3A_720 : i32 to vector<16xi32>
      %gather3A_722 = arith.constant 1 : i32
      %gather3A_723 = arith.constant 0 : i32
      %gather3A_724 = arith.constant 0 : i32
      %gather3A_725 = tpu.memref_slice %arg6[%gather3A_722, %gather3A_723, %gather3A_724] : memref<8x32x128xf32, #tpu.memory_space<vmem>> -> memref<1x32x128xf32, #tpu.memory_space<vmem>>
      %gather3A_726 = tpu.memref_squeeze %gather3A_725 : memref<1x32x128xf32, #tpu.memory_space<vmem>> -> memref<32x128xf32, #tpu.memory_space<vmem>>
      %gather3A_727 = tpu.vector_load_idx %gather3A_726[%iota3A, %broadcast_in_dim3A_721] : memref<32x128xf32, #tpu.memory_space<vmem>>[vector<16xi32>, vector<16xi32>], vector<16xf32>,
      %gather3A_728 = arith.constant 1 : i32
      %gather3A_729 = arith.constant 0 : i32
      %gather3A_730 = arith.constant 0 : i32
      %gather3A_731 = tpu.memref_slice %arg6[%gather3A_728, %gather3A_729, %gather3A_730] : memref<8x32x128xf32, #tpu.memory_space<vmem>> -> memref<1x32x128xf32, #tpu.memory_space<vmem>>
      %gather3A_732 = tpu.memref_squeeze %gather3A_731 : memref<1x32x128xf32, #tpu.memory_space<vmem>> -> memref<32x128xf32, #tpu.memory_space<vmem>>
      %gather3A_733 = tpu.vector_load_idx %gather3A_732[%add3A_5, %broadcast_in_dim3A_721] : memref<32x128xf32, #tpu.memory_space<vmem>>[vector<16xi32>, vector<16xi32>], vector<16xf32>,
      %add3A_734 = arith.constant 9 : i32
      %add3A_735 = arith.addi %mul3A_13, %add3A_734 : i32
      %swap3A_736 = arith.index_cast %add3A_735 : i32 to index
      %swap3A_737 = arith.constant 0 : index
      %swap3A_738 = tpu.vector_load %arg7[%swap3A_736, %swap3A_737] {strides = array<i32>} : memref<512x32xf32, #tpu.memory_space<vmem>>, vector<16xf32>,
      tpu.vector_store %arg7[%swap3A_736, %swap3A_737], %gather3A_727 {strides = array<i32>} : memref<512x32xf32, #tpu.memory_space<vmem>>, vector<16xf32>,
      %add3A_739 = arith.constant 9 : i32
      %add3A_740 = arith.addi %mul3A_13, %add3A_739 : i32
      %swap3A_741 = arith.index_cast %add3A_740 : i32 to index
      %swap3A_742 = arith.constant 16 : index
      %swap3A_743 = tpu.vector_load %arg7[%swap3A_741, %swap3A_742] {strides = array<i32>} : memref<512x32xf32, #tpu.memory_space<vmem>>, vector<16xf32>,
      tpu.vector_store %arg7[%swap3A_741, %swap3A_742], %gather3A_733 {strides = array<i32>} : memref<512x32xf32, #tpu.memory_space<vmem>>, vector<16xf32>,
      %dma_wait3A_744 = arith.constant 2 : i32
      %dma_wait3A_745 = arith.constant 0 : i32
      %dma_wait3A_746 = arith.constant 0 : i32
      %dma_wait3A_747 = tpu.memref_slice %arg6[%dma_wait3A_744, %dma_wait3A_745, %dma_wait3A_746] : memref<8x32x128xf32, #tpu.memory_space<vmem>> -> memref<1x32x128xf32, #tpu.memory_space<vmem>>
      %dma_wait3A_748 = tpu.memref_squeeze %dma_wait3A_747 : memref<1x32x128xf32, #tpu.memory_space<vmem>> -> memref<32x128xf32, #tpu.memory_space<vmem>>
      %dma_wait3A_749 = arith.constant 0 : i32
      %dma_wait3A_750 = arith.constant 0 : i32
      %dma_wait3A_751 = tpu.memref_slice %arg3[%dma_wait3A_749, %dma_wait3A_750] : memref<32x1000000xf32, #tpu.memory_space<hbm>> -> memref<32x128xf32, #tpu.memory_space<hbm>>
      %dma_wait3A_752 = arith.constant 0 : i32
      %dma_wait3A_753 = arith.constant 0 : i32
      %dma_wait3A_754 = tpu.memref_slice %arg6[%dma_wait3A_744, %dma_wait3A_752, %dma_wait3A_753] : memref<8x32x128xf32, #tpu.memory_space<vmem>> -> memref<1x32x128xf32, #tpu.memory_space<vmem>>
      %dma_wait3A_755 = tpu.memref_squeeze %dma_wait3A_754 : memref<1x32x128xf32, #tpu.memory_space<vmem>> -> memref<32x128xf32, #tpu.memory_space<vmem>>
      %dma_wait3A_756 = arith.constant 0 : i32
      %dma_wait3A_757 = arith.constant 0 : i32
      %dma_wait3A_758 = tpu.memref_slice %arg3[%dma_wait3A_756, %dma_wait3A_757] : memref<32x1000000xf32, #tpu.memory_space<hbm>> -> memref<32x128xf32, #tpu.memory_space<hbm>>
      tpu.wait_dma2 semaphore(%arg10 : memref<!tpu.dma_semaphore, #tpu.memory_space<semaphore_mem>>) src(%dma_wait3A_758 : memref<32x128xf32, #tpu.memory_space<hbm>>) dst(%dma_wait3A_755 : memref<32x128xf32, #tpu.memory_space<vmem>>)
      %slice3A_759 = vector.extract_strided_slice %get3A_14 {offsets = [10], sizes = [1], strides = [1]} : vector<16xi32> to vector<1xi32>
      %squeeze3A_760 = vector.extract %slice3A_759[0] : i32 from vector<1xi32>
      %and3A_761 = arith.constant 127 : i32
      %and3A_762 = arith.andi %squeeze3A_760, %and3A_761 : i32
      %broadcast_in_dim3A_763 = vector.broadcast %and3A_762 : i32 to vector<16xi32>
      %gather3A_764 = arith.constant 2 : i32
      %gather3A_765 = arith.constant 0 : i32
      %gather3A_766 = arith.constant 0 : i32
      %gather3A_767 = tpu.memref_slice %arg6[%gather3A_764, %gather3A_765, %gather3A_766] : memref<8x32x128xf32, #tpu.memory_space<vmem>> -> memref<1x32x128xf32, #tpu.memory_space<vmem>>
      %gather3A_768 = tpu.memref_squeeze %gather3A_767 : memref<1x32x128xf32, #tpu.memory_space<vmem>> -> memref<32x128xf32, #tpu.memory_space<vmem>>
      %gather3A_769 = tpu.vector_load_idx %gather3A_768[%iota3A, %broadcast_in_dim3A_763] : memref<32x128xf32, #tpu.memory_space<vmem>>[vector<16xi32>, vector<16xi32>], vector<16xf32>,
      %gather3A_770 = arith.constant 2 : i32
      %gather3A_771 = arith.constant 0 : i32
      %gather3A_772 = arith.constant 0 : i32
      %gather3A_773 = tpu.memref_slice %arg6[%gather3A_770, %gather3A_771, %gather3A_772] : memref<8x32x128xf32, #tpu.memory_space<vmem>> -> memref<1x32x128xf32, #tpu.memory_space<vmem>>
      %gather3A_774 = tpu.memref_squeeze %gather3A_773 : memref<1x32x128xf32, #tpu.memory_space<vmem>> -> memref<32x128xf32, #tpu.memory_space<vmem>>
      %gather3A_775 = tpu.vector_load_idx %gather3A_774[%add3A_5, %broadcast_in_dim3A_763] : memref<32x128xf32, #tpu.memory_space<vmem>>[vector<16xi32>, vector<16xi32>], vector<16xf32>,
      %add3A_776 = arith.constant 10 : i32
      %add3A_777 = arith.addi %mul3A_13, %add3A_776 : i32
      %swap3A_778 = arith.index_cast %add3A_777 : i32 to index
      %swap3A_779 = arith.constant 0 : index
      %swap3A_780 = tpu.vector_load %arg7[%swap3A_778, %swap3A_779] {strides = array<i32>} : memref<512x32xf32, #tpu.memory_space<vmem>>, vector<16xf32>,
      tpu.vector_store %arg7[%swap3A_778, %swap3A_779], %gather3A_769 {strides = array<i32>} : memref<512x32xf32, #tpu.memory_space<vmem>>, vector<16xf32>,
      %add3A_781 = arith.constant 10 : i32
      %add3A_782 = arith.addi %mul3A_13, %add3A_781 : i32
      %swap3A_783 = arith.index_cast %add3A_782 : i32 to index
      %swap3A_784 = arith.constant 16 : index
      %swap3A_785 = tpu.vector_load %arg7[%swap3A_783, %swap3A_784] {strides = array<i32>} : memref<512x32xf32, #tpu.memory_space<vmem>>, vector<16xf32>,
      tpu.vector_store %arg7[%swap3A_783, %swap3A_784], %gather3A_775 {strides = array<i32>} : memref<512x32xf32, #tpu.memory_space<vmem>>, vector<16xf32>,
      %dma_wait3A_786 = arith.constant 3 : i32
      %dma_wait3A_787 = arith.constant 0 : i32
      %dma_wait3A_788 = arith.constant 0 : i32
      %dma_wait3A_789 = tpu.memref_slice %arg6[%dma_wait3A_786, %dma_wait3A_787, %dma_wait3A_788] : memref<8x32x128xf32, #tpu.memory_space<vmem>> -> memref<1x32x128xf32, #tpu.memory_space<vmem>>
      %dma_wait3A_790 = tpu.memref_squeeze %dma_wait3A_789 : memref<1x32x128xf32, #tpu.memory_space<vmem>> -> memref<32x128xf32, #tpu.memory_space<vmem>>
      %dma_wait3A_791 = arith.constant 0 : i32
      %dma_wait3A_792 = arith.constant 0 : i32
      %dma_wait3A_793 = tpu.memref_slice %arg3[%dma_wait3A_791, %dma_wait3A_792] : memref<32x1000000xf32, #tpu.memory_space<hbm>> -> memref<32x128xf32, #tpu.memory_space<hbm>>
      %dma_wait3A_794 = arith.constant 0 : i32
      %dma_wait3A_795 = arith.constant 0 : i32
      %dma_wait3A_796 = tpu.memref_slice %arg6[%dma_wait3A_786, %dma_wait3A_794, %dma_wait3A_795] : memref<8x32x128xf32, #tpu.memory_space<vmem>> -> memref<1x32x128xf32, #tpu.memory_space<vmem>>
      %dma_wait3A_797 = tpu.memref_squeeze %dma_wait3A_796 : memref<1x32x128xf32, #tpu.memory_space<vmem>> -> memref<32x128xf32, #tpu.memory_space<vmem>>
      %dma_wait3A_798 = arith.constant 0 : i32
      %dma_wait3A_799 = arith.constant 0 : i32
      %dma_wait3A_800 = tpu.memref_slice %arg3[%dma_wait3A_798, %dma_wait3A_799] : memref<32x1000000xf32, #tpu.memory_space<hbm>> -> memref<32x128xf32, #tpu.memory_space<hbm>>
      tpu.wait_dma2 semaphore(%arg11 : memref<!tpu.dma_semaphore, #tpu.memory_space<semaphore_mem>>) src(%dma_wait3A_800 : memref<32x128xf32, #tpu.memory_space<hbm>>) dst(%dma_wait3A_797 : memref<32x128xf32, #tpu.memory_space<vmem>>)
      %slice3A_801 = vector.extract_strided_slice %get3A_14 {offsets = [11], sizes = [1], strides = [1]} : vector<16xi32> to vector<1xi32>
      %squeeze3A_802 = vector.extract %slice3A_801[0] : i32 from vector<1xi32>
      %and3A_803 = arith.constant 127 : i32
      %and3A_804 = arith.andi %squeeze3A_802, %and3A_803 : i32
      %broadcast_in_dim3A_805 = vector.broadcast %and3A_804 : i32 to vector<16xi32>
      %gather3A_806 = arith.constant 3 : i32
      %gather3A_807 = arith.constant 0 : i32
      %gather3A_808 = arith.constant 0 : i32
      %gather3A_809 = tpu.memref_slice %arg6[%gather3A_806, %gather3A_807, %gather3A_808] : memref<8x32x128xf32, #tpu.memory_space<vmem>> -> memref<1x32x128xf32, #tpu.memory_space<vmem>>
      %gather3A_810 = tpu.memref_squeeze %gather3A_809 : memref<1x32x128xf32, #tpu.memory_space<vmem>> -> memref<32x128xf32, #tpu.memory_space<vmem>>
      %gather3A_811 = tpu.vector_load_idx %gather3A_810[%iota3A, %broadcast_in_dim3A_805] : memref<32x128xf32, #tpu.memory_space<vmem>>[vector<16xi32>, vector<16xi32>], vector<16xf32>,
      %gather3A_812 = arith.constant 3 : i32
      %gather3A_813 = arith.constant 0 : i32
      %gather3A_814 = arith.constant 0 : i32
      %gather3A_815 = tpu.memref_slice %arg6[%gather3A_812, %gather3A_813, %gather3A_814] : memref<8x32x128xf32, #tpu.memory_space<vmem>> -> memref<1x32x128xf32, #tpu.memory_space<vmem>>
      %gather3A_816 = tpu.memref_squeeze %gather3A_815 : memref<1x32x128xf32, #tpu.memory_space<vmem>> -> memref<32x128xf32, #tpu.memory_space<vmem>>
      %gather3A_817 = tpu.vector_load_idx %gather3A_816[%add3A_5, %broadcast_in_dim3A_805] : memref<32x128xf32, #tpu.memory_space<vmem>>[vector<16xi32>, vector<16xi32>], vector<16xf32>,
      %add3A_818 = arith.constant 11 : i32
      %add3A_819 = arith.addi %mul3A_13, %add3A_818 : i32
      %swap3A_820 = arith.index_cast %add3A_819 : i32 to index
      %swap3A_821 = arith.constant 0 : index
      %swap3A_822 = tpu.vector_load %arg7[%swap3A_820, %swap3A_821] {strides = array<i32>} : memref<512x32xf32, #tpu.memory_space<vmem>>, vector<16xf32>,
      tpu.vector_store %arg7[%swap3A_820, %swap3A_821], %gather3A_811 {strides = array<i32>} : memref<512x32xf32, #tpu.memory_space<vmem>>, vector<16xf32>,
      %add3A_823 = arith.constant 11 : i32
      %add3A_824 = arith.addi %mul3A_13, %add3A_823 : i32
      %swap3A_825 = arith.index_cast %add3A_824 : i32 to index
      %swap3A_826 = arith.constant 16 : index
      %swap3A_827 = tpu.vector_load %arg7[%swap3A_825, %swap3A_826] {strides = array<i32>} : memref<512x32xf32, #tpu.memory_space<vmem>>, vector<16xf32>,
      tpu.vector_store %arg7[%swap3A_825, %swap3A_826], %gather3A_817 {strides = array<i32>} : memref<512x32xf32, #tpu.memory_space<vmem>>, vector<16xf32>,
      %dma_wait3A_828 = arith.constant 4 : i32
      %dma_wait3A_829 = arith.constant 0 : i32
      %dma_wait3A_830 = arith.constant 0 : i32
      %dma_wait3A_831 = tpu.memref_slice %arg6[%dma_wait3A_828, %dma_wait3A_829, %dma_wait3A_830] : memref<8x32x128xf32, #tpu.memory_space<vmem>> -> memref<1x32x128xf32, #tpu.memory_space<vmem>>
      %dma_wait3A_832 = tpu.memref_squeeze %dma_wait3A_831 : memref<1x32x128xf32, #tpu.memory_space<vmem>> -> memref<32x128xf32, #tpu.memory_space<vmem>>
      %dma_wait3A_833 = arith.constant 0 : i32
      %dma_wait3A_834 = arith.constant 0 : i32
      %dma_wait3A_835 = tpu.memref_slice %arg3[%dma_wait3A_833, %dma_wait3A_834] : memref<32x1000000xf32, #tpu.memory_space<hbm>> -> memref<32x128xf32, #tpu.memory_space<hbm>>
      %dma_wait3A_836 = arith.constant 0 : i32
      %dma_wait3A_837 = arith.constant 0 : i32
      %dma_wait3A_838 = tpu.memref_slice %arg6[%dma_wait3A_828, %dma_wait3A_836, %dma_wait3A_837] : memref<8x32x128xf32, #tpu.memory_space<vmem>> -> memref<1x32x128xf32, #tpu.memory_space<vmem>>
      %dma_wait3A_839 = tpu.memref_squeeze %dma_wait3A_838 : memref<1x32x128xf32, #tpu.memory_space<vmem>> -> memref<32x128xf32, #tpu.memory_space<vmem>>
      %dma_wait3A_840 = arith.constant 0 : i32
      %dma_wait3A_841 = arith.constant 0 : i32
      %dma_wait3A_842 = tpu.memref_slice %arg3[%dma_wait3A_840, %dma_wait3A_841] : memref<32x1000000xf32, #tpu.memory_space<hbm>> -> memref<32x128xf32, #tpu.memory_space<hbm>>
      tpu.wait_dma2 semaphore(%arg12 : memref<!tpu.dma_semaphore, #tpu.memory_space<semaphore_mem>>) src(%dma_wait3A_842 : memref<32x128xf32, #tpu.memory_space<hbm>>) dst(%dma_wait3A_839 : memref<32x128xf32, #tpu.memory_space<vmem>>)
      %slice3A_843 = vector.extract_strided_slice %get3A_14 {offsets = [12], sizes = [1], strides = [1]} : vector<16xi32> to vector<1xi32>
      %squeeze3A_844 = vector.extract %slice3A_843[0] : i32 from vector<1xi32>
      %and3A_845 = arith.constant 127 : i32
      %and3A_846 = arith.andi %squeeze3A_844, %and3A_845 : i32
      %broadcast_in_dim3A_847 = vector.broadcast %and3A_846 : i32 to vector<16xi32>
      %gather3A_848 = arith.constant 4 : i32
      %gather3A_849 = arith.constant 0 : i32
      %gather3A_850 = arith.constant 0 : i32
      %gather3A_851 = tpu.memref_slice %arg6[%gather3A_848, %gather3A_849, %gather3A_850] : memref<8x32x128xf32, #tpu.memory_space<vmem>> -> memref<1x32x128xf32, #tpu.memory_space<vmem>>
      %gather3A_852 = tpu.memref_squeeze %gather3A_851 : memref<1x32x128xf32, #tpu.memory_space<vmem>> -> memref<32x128xf32, #tpu.memory_space<vmem>>
      %gather3A_853 = tpu.vector_load_idx %gather3A_852[%iota3A, %broadcast_in_dim3A_847] : memref<32x128xf32, #tpu.memory_space<vmem>>[vector<16xi32>, vector<16xi32>], vector<16xf32>,
      %gather3A_854 = arith.constant 4 : i32
      %gather3A_855 = arith.constant 0 : i32
      %gather3A_856 = arith.constant 0 : i32
      %gather3A_857 = tpu.memref_slice %arg6[%gather3A_854, %gather3A_855, %gather3A_856] : memref<8x32x128xf32, #tpu.memory_space<vmem>> -> memref<1x32x128xf32, #tpu.memory_space<vmem>>
      %gather3A_858 = tpu.memref_squeeze %gather3A_857 : memref<1x32x128xf32, #tpu.memory_space<vmem>> -> memref<32x128xf32, #tpu.memory_space<vmem>>
      %gather3A_859 = tpu.vector_load_idx %gather3A_858[%add3A_5, %broadcast_in_dim3A_847] : memref<32x128xf32, #tpu.memory_space<vmem>>[vector<16xi32>, vector<16xi32>], vector<16xf32>,
      %add3A_860 = arith.constant 12 : i32
      %add3A_861 = arith.addi %mul3A_13, %add3A_860 : i32
      %swap3A_862 = arith.index_cast %add3A_861 : i32 to index
      %swap3A_863 = arith.constant 0 : index
      %swap3A_864 = tpu.vector_load %arg7[%swap3A_862, %swap3A_863] {strides = array<i32>} : memref<512x32xf32, #tpu.memory_space<vmem>>, vector<16xf32>,
      tpu.vector_store %arg7[%swap3A_862, %swap3A_863], %gather3A_853 {strides = array<i32>} : memref<512x32xf32, #tpu.memory_space<vmem>>, vector<16xf32>,
      %add3A_865 = arith.constant 12 : i32
      %add3A_866 = arith.addi %mul3A_13, %add3A_865 : i32
      %swap3A_867 = arith.index_cast %add3A_866 : i32 to index
      %swap3A_868 = arith.constant 16 : index
      %swap3A_869 = tpu.vector_load %arg7[%swap3A_867, %swap3A_868] {strides = array<i32>} : memref<512x32xf32, #tpu.memory_space<vmem>>, vector<16xf32>,
      tpu.vector_store %arg7[%swap3A_867, %swap3A_868], %gather3A_859 {strides = array<i32>} : memref<512x32xf32, #tpu.memory_space<vmem>>, vector<16xf32>,
      %dma_wait3A_870 = arith.constant 5 : i32
      %dma_wait3A_871 = arith.constant 0 : i32
      %dma_wait3A_872 = arith.constant 0 : i32
      %dma_wait3A_873 = tpu.memref_slice %arg6[%dma_wait3A_870, %dma_wait3A_871, %dma_wait3A_872] : memref<8x32x128xf32, #tpu.memory_space<vmem>> -> memref<1x32x128xf32, #tpu.memory_space<vmem>>
      %dma_wait3A_874 = tpu.memref_squeeze %dma_wait3A_873 : memref<1x32x128xf32, #tpu.memory_space<vmem>> -> memref<32x128xf32, #tpu.memory_space<vmem>>
      %dma_wait3A_875 = arith.constant 0 : i32
      %dma_wait3A_876 = arith.constant 0 : i32
      %dma_wait3A_877 = tpu.memref_slice %arg3[%dma_wait3A_875, %dma_wait3A_876] : memref<32x1000000xf32, #tpu.memory_space<hbm>> -> memref<32x128xf32, #tpu.memory_space<hbm>>
      %dma_wait3A_878 = arith.constant 0 : i32
      %dma_wait3A_879 = arith.constant 0 : i32
      %dma_wait3A_880 = tpu.memref_slice %arg6[%dma_wait3A_870, %dma_wait3A_878, %dma_wait3A_879] : memref<8x32x128xf32, #tpu.memory_space<vmem>> -> memref<1x32x128xf32, #tpu.memory_space<vmem>>
      %dma_wait3A_881 = tpu.memref_squeeze %dma_wait3A_880 : memref<1x32x128xf32, #tpu.memory_space<vmem>> -> memref<32x128xf32, #tpu.memory_space<vmem>>
      %dma_wait3A_882 = arith.constant 0 : i32
      %dma_wait3A_883 = arith.constant 0 : i32
      %dma_wait3A_884 = tpu.memref_slice %arg3[%dma_wait3A_882, %dma_wait3A_883] : memref<32x1000000xf32, #tpu.memory_space<hbm>> -> memref<32x128xf32, #tpu.memory_space<hbm>>
      tpu.wait_dma2 semaphore(%arg13 : memref<!tpu.dma_semaphore, #tpu.memory_space<semaphore_mem>>) src(%dma_wait3A_884 : memref<32x128xf32, #tpu.memory_space<hbm>>) dst(%dma_wait3A_881 : memref<32x128xf32, #tpu.memory_space<vmem>>)
      %slice3A_885 = vector.extract_strided_slice %get3A_14 {offsets = [13], sizes = [1], strides = [1]} : vector<16xi32> to vector<1xi32>
      %squeeze3A_886 = vector.extract %slice3A_885[0] : i32 from vector<1xi32>
      %and3A_887 = arith.constant 127 : i32
      %and3A_888 = arith.andi %squeeze3A_886, %and3A_887 : i32
      %broadcast_in_dim3A_889 = vector.broadcast %and3A_888 : i32 to vector<16xi32>
      %gather3A_890 = arith.constant 5 : i32
      %gather3A_891 = arith.constant 0 : i32
      %gather3A_892 = arith.constant 0 : i32
      %gather3A_893 = tpu.memref_slice %arg6[%gather3A_890, %gather3A_891, %gather3A_892] : memref<8x32x128xf32, #tpu.memory_space<vmem>> -> memref<1x32x128xf32, #tpu.memory_space<vmem>>
      %gather3A_894 = tpu.memref_squeeze %gather3A_893 : memref<1x32x128xf32, #tpu.memory_space<vmem>> -> memref<32x128xf32, #tpu.memory_space<vmem>>
      %gather3A_895 = tpu.vector_load_idx %gather3A_894[%iota3A, %broadcast_in_dim3A_889] : memref<32x128xf32, #tpu.memory_space<vmem>>[vector<16xi32>, vector<16xi32>], vector<16xf32>,
      %gather3A_896 = arith.constant 5 : i32
      %gather3A_897 = arith.constant 0 : i32
      %gather3A_898 = arith.constant 0 : i32
      %gather3A_899 = tpu.memref_slice %arg6[%gather3A_896, %gather3A_897, %gather3A_898] : memref<8x32x128xf32, #tpu.memory_space<vmem>> -> memref<1x32x128xf32, #tpu.memory_space<vmem>>
      %gather3A_900 = tpu.memref_squeeze %gather3A_899 : memref<1x32x128xf32, #tpu.memory_space<vmem>> -> memref<32x128xf32, #tpu.memory_space<vmem>>
      %gather3A_901 = tpu.vector_load_idx %gather3A_900[%add3A_5, %broadcast_in_dim3A_889] : memref<32x128xf32, #tpu.memory_space<vmem>>[vector<16xi32>, vector<16xi32>], vector<16xf32>,
      %add3A_902 = arith.constant 13 : i32
      %add3A_903 = arith.addi %mul3A_13, %add3A_902 : i32
      %swap3A_904 = arith.index_cast %add3A_903 : i32 to index
      %swap3A_905 = arith.constant 0 : index
      %swap3A_906 = tpu.vector_load %arg7[%swap3A_904, %swap3A_905] {strides = array<i32>} : memref<512x32xf32, #tpu.memory_space<vmem>>, vector<16xf32>,
      tpu.vector_store %arg7[%swap3A_904, %swap3A_905], %gather3A_895 {strides = array<i32>} : memref<512x32xf32, #tpu.memory_space<vmem>>, vector<16xf32>,
      %add3A_907 = arith.constant 13 : i32
      %add3A_908 = arith.addi %mul3A_13, %add3A_907 : i32
      %swap3A_909 = arith.index_cast %add3A_908 : i32 to index
      %swap3A_910 = arith.constant 16 : index
      %swap3A_911 = tpu.vector_load %arg7[%swap3A_909, %swap3A_910] {strides = array<i32>} : memref<512x32xf32, #tpu.memory_space<vmem>>, vector<16xf32>,
      tpu.vector_store %arg7[%swap3A_909, %swap3A_910], %gather3A_901 {strides = array<i32>} : memref<512x32xf32, #tpu.memory_space<vmem>>, vector<16xf32>,
      %dma_wait3A_912 = arith.constant 6 : i32
      %dma_wait3A_913 = arith.constant 0 : i32
      %dma_wait3A_914 = arith.constant 0 : i32
      %dma_wait3A_915 = tpu.memref_slice %arg6[%dma_wait3A_912, %dma_wait3A_913, %dma_wait3A_914] : memref<8x32x128xf32, #tpu.memory_space<vmem>> -> memref<1x32x128xf32, #tpu.memory_space<vmem>>
      %dma_wait3A_916 = tpu.memref_squeeze %dma_wait3A_915 : memref<1x32x128xf32, #tpu.memory_space<vmem>> -> memref<32x128xf32, #tpu.memory_space<vmem>>
      %dma_wait3A_917 = arith.constant 0 : i32
      %dma_wait3A_918 = arith.constant 0 : i32
      %dma_wait3A_919 = tpu.memref_slice %arg3[%dma_wait3A_917, %dma_wait3A_918] : memref<32x1000000xf32, #tpu.memory_space<hbm>> -> memref<32x128xf32, #tpu.memory_space<hbm>>
      %dma_wait3A_920 = arith.constant 0 : i32
      %dma_wait3A_921 = arith.constant 0 : i32
      %dma_wait3A_922 = tpu.memref_slice %arg6[%dma_wait3A_912, %dma_wait3A_920, %dma_wait3A_921] : memref<8x32x128xf32, #tpu.memory_space<vmem>> -> memref<1x32x128xf32, #tpu.memory_space<vmem>>
      %dma_wait3A_923 = tpu.memref_squeeze %dma_wait3A_922 : memref<1x32x128xf32, #tpu.memory_space<vmem>> -> memref<32x128xf32, #tpu.memory_space<vmem>>
      %dma_wait3A_924 = arith.constant 0 : i32
      %dma_wait3A_925 = arith.constant 0 : i32
      %dma_wait3A_926 = tpu.memref_slice %arg3[%dma_wait3A_924, %dma_wait3A_925] : memref<32x1000000xf32, #tpu.memory_space<hbm>> -> memref<32x128xf32, #tpu.memory_space<hbm>>
      tpu.wait_dma2 semaphore(%arg14 : memref<!tpu.dma_semaphore, #tpu.memory_space<semaphore_mem>>) src(%dma_wait3A_926 : memref<32x128xf32, #tpu.memory_space<hbm>>) dst(%dma_wait3A_923 : memref<32x128xf32, #tpu.memory_space<vmem>>)
      %slice3A_927 = vector.extract_strided_slice %get3A_14 {offsets = [14], sizes = [1], strides = [1]} : vector<16xi32> to vector<1xi32>
      %squeeze3A_928 = vector.extract %slice3A_927[0] : i32 from vector<1xi32>
      %and3A_929 = arith.constant 127 : i32
      %and3A_930 = arith.andi %squeeze3A_928, %and3A_929 : i32
      %broadcast_in_dim3A_931 = vector.broadcast %and3A_930 : i32 to vector<16xi32>
      %gather3A_932 = arith.constant 6 : i32
      %gather3A_933 = arith.constant 0 : i32
      %gather3A_934 = arith.constant 0 : i32
      %gather3A_935 = tpu.memref_slice %arg6[%gather3A_932, %gather3A_933, %gather3A_934] : memref<8x32x128xf32, #tpu.memory_space<vmem>> -> memref<1x32x128xf32, #tpu.memory_space<vmem>>
      %gather3A_936 = tpu.memref_squeeze %gather3A_935 : memref<1x32x128xf32, #tpu.memory_space<vmem>> -> memref<32x128xf32, #tpu.memory_space<vmem>>
      %gather3A_937 = tpu.vector_load_idx %gather3A_936[%iota3A, %broadcast_in_dim3A_931] : memref<32x128xf32, #tpu.memory_space<vmem>>[vector<16xi32>, vector<16xi32>], vector<16xf32>,
      %gather3A_938 = arith.constant 6 : i32
      %gather3A_939 = arith.constant 0 : i32
      %gather3A_940 = arith.constant 0 : i32
      %gather3A_941 = tpu.memref_slice %arg6[%gather3A_938, %gather3A_939, %gather3A_940] : memref<8x32x128xf32, #tpu.memory_space<vmem>> -> memref<1x32x128xf32, #tpu.memory_space<vmem>>
      %gather3A_942 = tpu.memref_squeeze %gather3A_941 : memref<1x32x128xf32, #tpu.memory_space<vmem>> -> memref<32x128xf32, #tpu.memory_space<vmem>>
      %gather3A_943 = tpu.vector_load_idx %gather3A_942[%add3A_5, %broadcast_in_dim3A_931] : memref<32x128xf32, #tpu.memory_space<vmem>>[vector<16xi32>, vector<16xi32>], vector<16xf32>,
      %add3A_944 = arith.constant 14 : i32
      %add3A_945 = arith.addi %mul3A_13, %add3A_944 : i32
      %swap3A_946 = arith.index_cast %add3A_945 : i32 to index
      %swap3A_947 = arith.constant 0 : index
      %swap3A_948 = tpu.vector_load %arg7[%swap3A_946, %swap3A_947] {strides = array<i32>} : memref<512x32xf32, #tpu.memory_space<vmem>>, vector<16xf32>,
      tpu.vector_store %arg7[%swap3A_946, %swap3A_947], %gather3A_937 {strides = array<i32>} : memref<512x32xf32, #tpu.memory_space<vmem>>, vector<16xf32>,
      %add3A_949 = arith.constant 14 : i32
      %add3A_950 = arith.addi %mul3A_13, %add3A_949 : i32
      %swap3A_951 = arith.index_cast %add3A_950 : i32 to index
      %swap3A_952 = arith.constant 16 : index
      %swap3A_953 = tpu.vector_load %arg7[%swap3A_951, %swap3A_952] {strides = array<i32>} : memref<512x32xf32, #tpu.memory_space<vmem>>, vector<16xf32>,
      tpu.vector_store %arg7[%swap3A_951, %swap3A_952], %gather3A_943 {strides = array<i32>} : memref<512x32xf32, #tpu.memory_space<vmem>>, vector<16xf32>,
      %dma_wait3A_954 = arith.constant 7 : i32
      %dma_wait3A_955 = arith.constant 0 : i32
      %dma_wait3A_956 = arith.constant 0 : i32
      %dma_wait3A_957 = tpu.memref_slice %arg6[%dma_wait3A_954, %dma_wait3A_955, %dma_wait3A_956] : memref<8x32x128xf32, #tpu.memory_space<vmem>> -> memref<1x32x128xf32, #tpu.memory_space<vmem>>
      %dma_wait3A_958 = tpu.memref_squeeze %dma_wait3A_957 : memref<1x32x128xf32, #tpu.memory_space<vmem>> -> memref<32x128xf32, #tpu.memory_space<vmem>>
      %dma_wait3A_959 = arith.constant 0 : i32
      %dma_wait3A_960 = arith.constant 0 : i32
      %dma_wait3A_961 = tpu.memref_slice %arg3[%dma_wait3A_959, %dma_wait3A_960] : memref<32x1000000xf32, #tpu.memory_space<hbm>> -> memref<32x128xf32, #tpu.memory_space<hbm>>
      %dma_wait3A_962 = arith.constant 0 : i32
      %dma_wait3A_963 = arith.constant 0 : i32
      %dma_wait3A_964 = tpu.memref_slice %arg6[%dma_wait3A_954, %dma_wait3A_962, %dma_wait3A_963] : memref<8x32x128xf32, #tpu.memory_space<vmem>> -> memref<1x32x128xf32, #tpu.memory_space<vmem>>
      %dma_wait3A_965 = tpu.memref_squeeze %dma_wait3A_964 : memref<1x32x128xf32, #tpu.memory_space<vmem>> -> memref<32x128xf32, #tpu.memory_space<vmem>>
      %dma_wait3A_966 = arith.constant 0 : i32
      %dma_wait3A_967 = arith.constant 0 : i32
      %dma_wait3A_968 = tpu.memref_slice %arg3[%dma_wait3A_966, %dma_wait3A_967] : memref<32x1000000xf32, #tpu.memory_space<hbm>> -> memref<32x128xf32, #tpu.memory_space<hbm>>
      tpu.wait_dma2 semaphore(%arg15 : memref<!tpu.dma_semaphore, #tpu.memory_space<semaphore_mem>>) src(%dma_wait3A_968 : memref<32x128xf32, #tpu.memory_space<hbm>>) dst(%dma_wait3A_965 : memref<32x128xf32, #tpu.memory_space<vmem>>)
      %slice3A_969 = vector.extract_strided_slice %get3A_14 {offsets = [15], sizes = [1], strides = [1]} : vector<16xi32> to vector<1xi32>
      %squeeze3A_970 = vector.extract %slice3A_969[0] : i32 from vector<1xi32>
      %and3A_971 = arith.constant 127 : i32
      %and3A_972 = arith.andi %squeeze3A_970, %and3A_971 : i32
      %broadcast_in_dim3A_973 = vector.broadcast %and3A_972 : i32 to vector<16xi32>
      %gather3A_974 = arith.constant 7 : i32
      %gather3A_975 = arith.constant 0 : i32
      %gather3A_976 = arith.constant 0 : i32
      %gather3A_977 = tpu.memref_slice %arg6[%gather3A_974, %gather3A_975, %gather3A_976] : memref<8x32x128xf32, #tpu.memory_space<vmem>> -> memref<1x32x128xf32, #tpu.memory_space<vmem>>
      %gather3A_978 = tpu.memref_squeeze %gather3A_977 : memref<1x32x128xf32, #tpu.memory_space<vmem>> -> memref<32x128xf32, #tpu.memory_space<vmem>>
      %gather3A_979 = tpu.vector_load_idx %gather3A_978[%iota3A, %broadcast_in_dim3A_973] : memref<32x128xf32, #tpu.memory_space<vmem>>[vector<16xi32>, vector<16xi32>], vector<16xf32>,
      %gather3A_980 = arith.constant 7 : i32
      %gather3A_981 = arith.constant 0 : i32
      %gather3A_982 = arith.constant 0 : i32
      %gather3A_983 = tpu.memref_slice %arg6[%gather3A_980, %gather3A_981, %gather3A_982] : memref<8x32x128xf32, #tpu.memory_space<vmem>> -> memref<1x32x128xf32, #tpu.memory_space<vmem>>
      %gather3A_984 = tpu.memref_squeeze %gather3A_983 : memref<1x32x128xf32, #tpu.memory_space<vmem>> -> memref<32x128xf32, #tpu.memory_space<vmem>>
      %gather3A_985 = tpu.vector_load_idx %gather3A_984[%add3A_5, %broadcast_in_dim3A_973] : memref<32x128xf32, #tpu.memory_space<vmem>>[vector<16xi32>, vector<16xi32>], vector<16xf32>,
      %add3A_986 = arith.constant 15 : i32
      %add3A_987 = arith.addi %mul3A_13, %add3A_986 : i32
      %swap3A_988 = arith.index_cast %add3A_987 : i32 to index
      %swap3A_989 = arith.constant 0 : index
      %swap3A_990 = tpu.vector_load %arg7[%swap3A_988, %swap3A_989] {strides = array<i32>} : memref<512x32xf32, #tpu.memory_space<vmem>>, vector<16xf32>,
      tpu.vector_store %arg7[%swap3A_988, %swap3A_989], %gather3A_979 {strides = array<i32>} : memref<512x32xf32, #tpu.memory_space<vmem>>, vector<16xf32>,
      %add3A_991 = arith.constant 15 : i32
      %add3A_992 = arith.addi %mul3A_13, %add3A_991 : i32
      %swap3A_993 = arith.index_cast %add3A_992 : i32 to index
      %swap3A_994 = arith.constant 16 : index
      %swap3A_995 = tpu.vector_load %arg7[%swap3A_993, %swap3A_994] {strides = array<i32>} : memref<512x32xf32, #tpu.memory_space<vmem>>, vector<16xf32>,
      tpu.vector_store %arg7[%swap3A_993, %swap3A_994], %gather3A_985 {strides = array<i32>} : memref<512x32xf32, #tpu.memory_space<vmem>>, vector<16xf32>,
    }
    %scan3A_10 = arith.constant 32 : i32
    "tpu.region"() ({
      %run_scoped3A = tpu.sem_alloc : memref<!tpu.dma_semaphore, #tpu.memory_space<semaphore_mem>>
      %dma_start3A = arith.constant 0 : i32
      %dma_start3A_11 = tpu.memref_slice %arg4[%mul3A_2, %dma_start3A] : memref<16384x32xf32, #tpu.memory_space<hbm>> -> memref<512x32xf32, #tpu.memory_space<hbm>>
      %dma_start3A_12 = arith.constant 0 : i32
      %dma_start3A_13 = tpu.memref_slice %arg4[%mul3A_2, %dma_start3A_12] : memref<16384x32xf32, #tpu.memory_space<hbm>> -> memref<512x32xf32, #tpu.memory_space<hbm>>
      tpu.enqueue_dma source(%arg7 : memref<512x32xf32, #tpu.memory_space<vmem>>) target(%dma_start3A_13 : memref<512x32xf32, #tpu.memory_space<hbm>>) target_semaphore(%run_scoped3A : memref<!tpu.dma_semaphore, #tpu.memory_space<semaphore_mem>>)
      %dma_wait3A = arith.constant 0 : i32
      %dma_wait3A_14 = tpu.memref_slice %arg4[%mul3A_2, %dma_wait3A] : memref<16384x32xf32, #tpu.memory_space<hbm>> -> memref<512x32xf32, #tpu.memory_space<hbm>>
      %dma_wait3A_15 = arith.constant 0 : i32
      %dma_wait3A_16 = tpu.memref_slice %arg4[%mul3A_2, %dma_wait3A_15] : memref<16384x32xf32, #tpu.memory_space<hbm>> -> memref<512x32xf32, #tpu.memory_space<hbm>>
      tpu.wait_dma2 semaphore(%run_scoped3A : memref<!tpu.dma_semaphore, #tpu.memory_space<semaphore_mem>>) src(%arg7 : memref<512x32xf32, #tpu.memory_space<vmem>>) dst(%dma_wait3A_16 : memref<512x32xf32, #tpu.memory_space<hbm>>)
      tpu.yield
    }) : () -> ()
    return
  }
}

</mosaic_0001>

<sc_bundles>
// kernel: _gather.3.cloned.1.call-start
scs
__scs_entry_jumppad:
0x0: {  	(pc) =	sbr.rel $0x88, $3  }
0x1: {  	(tag) =	ssettag $0x0;
	lr =	simm.s32 $0x1  }
0x2: {  	[smem:$0x3F9F] =	sst lr;
	_ =	strace $0xD0000000  }
0x3: {  	_ = 	snop  }
0x4: {  	_ = 	snop  }
0x5: {  	_ = 	snop  }
0x6: {  	_ = 	snop  }
0x7: {  	_ = 	snop  }
__scs_overlays_trampoline_lowered:
0x8: {  	[smem:$0x3FAE] =	sst s0  }
0x9: {  	[smem:$0x3FAF] =	sst s1  }
0xa: {  	[smem:$0x3FB0] =	sst s2  }
0xb: {  	[smem:$0x3FB1] =	sst s3  }
0xc: {  	[smem:$0x3FB2] =	sst s4  }
0xd: {  	[smem:$0x3FB3] =	sst s5  }
0xe: {  	[smem:$0x3FB4] =	sst s6  }
0xf: {  	[smem:$0x3FB5] =	sst s7  }
0x10: {  	[smem:$0x3FB6] =	sst s8  }
0x11: {  	[smem:$0x3FB7] =	sst s9;
	s0 =	simm.s32 @!p0 $0x0  }
0x12: {  	s1 =	sld [smem:$0x3F9D];
	s0 =	simm.s32 @p0 $0x1  }
0x13: {  	[smem:$0x3FB8] =	sst s0;
	s0 =	simm.s32 @!p1 $0x0  }
0x14: {  	s2 =	sld [smem:$0x3F9C];
	s0 =	simm.s32 @p1 $0x1  }
0x15: {  	[smem:$0x3FB9] =	sst s0;
	s0 =	simm.s32 @!p2 $0x0  }
0x16: {  	s3 =	sld [smem:$0x3FDB];
	s0 =	simm.s32 @p2 $0x1  }
0x17: {  	s4 =	simm.s32 $0x1BF5;
	[smem:$0x3FBB] =	sst s0  }
0x18: {  	s0 =	sld [smem:$0x3F9E];
	_ =	swait.ge [sflag:s4], $0x0  }
0x19: {  	s7 =	sld [smem:$0x3F9F]  }
0x1a: {  	s8 =	sadd.s32 $0xFFFFE003, lr  }
0x1b: {  	s9 =	sadd.s32 $0xFFFFFEF7, lr;
	s5 =	simm.s32 $0xFFFFFFFF;
	p2 =	slt.u32 s8, $0xFFFFF086  }
0x1c: {  	p1 =	slt.u32 s9, $0xF7A;
	s5 =	simm.s32 @!p2 $0x0  }
0x1d: {  	s5 =	simm.s32 @p1 $0x1;
	p0 =	seq.s32 s7, s2  }
0x1e: {  	s7 =	smul.u32 @!p0 $0xF7A, s2;
	p2 =	seq.s32 @!p0 s5, $0x0  }
0x1f: {  	s9 =	smul.u32 $0xF7A, s1;
	s8 =	simm.s32 @!p0 $0x1BF5;
	p2 =	por !p2, p0  }
0x20: {  	[sflag:s8] =	ssyncset.s32 @!p0 $0xFFFFF086;
	s6 =	sadd.s32 @!p0 s3, s7;
	s7 =	simm.s32 @!p0 $0x108  }
0x21: {  	s3 =	sadd.s32 s3, s9;
	s6 =	sadd.s32 @!p0 $0x88, s6;
	s7 =	simm.s32 @p2 $0x1082  }
0x22: {  	[simem:s7], [sflag:s8] =	dma.local @!p0 [hbm:s6], $0xF7A  }
0x23: {  	s9 =	sor.u32 $0xD0000000, s2;
	s6 =	simm.s32 $0x108;
	_ =	swait.ge @!p0 [sflag:s8], $0x0  }
0x24: {  	s3 =	sadd.s32 $0x88, s3;
	s6 =	simm.s32 @!p1 $0x1082;
	[sflag:s4] =	ssyncset.s32 $0xFFFFF086  }
0x25: {  	[simem:s6], [sflag:s4] =	dma.local [hbm:s3], $0xF7A  }
0x26: {  	[smem:$0x3F9F] =	sst s1;
	(tag) =	ssettag s2;
	_ =	strace s9  }
0x27: {  	s1 =	sld [smem:$0x3FAF]  }
0x28: {  	s2 =	sld [smem:$0x3FB0]  }
0x29: {  	s4 =	sld [smem:$0x3FB2]  }
0x2a: {  	p0 =	seq.s32 s5, $0x0;
	s5 =	sld [smem:$0x3FB3]  }
0x2b: {  	s6 =	sld [smem:$0x3FB4]  }
0x2c: {  	s7 =	sld [smem:$0x3FB5]  }
0x2d: {  	s3 =	simm.s32 $0x108;
	s8 =	sld [smem:$0x3FB6]  }
0x2e: {  	s3 =	simm.s32 @!p0 $0x1082;
	s9 =	sld [smem:$0x3FB7]  }
0x2f: {  	lr =	sadd.s32 s0, s3;
	s0 =	sld [smem:$0x3FAE]  }
0x30: {  	s3 =	sld [smem:$0x3FB1]  }
0x31: {  	[smem:$0x3FBA] =	sst s10  }
0x32: {  	s10 =	sld [smem:$0x3FB8];
	_ =	sdelay $0x3  }
0x33: {  	p0 =	seq.s32 s10, $0x1;
	s10 =	sld [smem:$0x3FBA];
	_ =	sdelay $0x3  }
0x34: {  	[smem:$0x3FBA] =	sst s10  }
0x35: {  	s10 =	sld [smem:$0x3FB9];
	_ =	sdelay $0x3  }
0x36: {  	p1 =	seq.s32 s10, $0x1;
	s10 =	sld [smem:$0x3FBA];
	_ =	sdelay $0x3  }
0x37: {  	[smem:$0x3FBA] =	sst s10  }
0x38: {  	s10 =	sld [smem:$0x3FBB]  }
0x39: {  	_ = 	snop;
	(pc) =	sbr.ind lr, $3  }
0x3a: {  	_ = 	snop  }
0x3b: {  	_ = 	snop  }
0x3c: {  	p2 =	seq.s32 s10, $0x1;
	s10 =	sld [smem:$0x3FBA]  }
0x3d: {  	_ =	shalt  }
0x3e: {  	_ =	shalt  }
0x3f: {  	_ =	shalt  }
0x40: {  	_ =	shalt  }
0x41: {  	_ =	shalt  }
0x42: {  	_ =	shalt  }
0x43: {  	_ =	shalt  }
0x44: {  	_ =	shalt  }
0x45: {  	_ =	shalt  }
0x46: {  	_ =	shalt  }
0x47: {  	_ =	shalt  }
0x48: {  	_ =	shalt  }
0x49: {  	_ =	shalt  }
0x4a: {  	_ =	shalt  }
0x4b: {  	_ =	shalt  }
0x4c: {  	_ =	shalt  }
0x4d: {  	_ =	shalt  }
0x4e: {  	_ =	shalt  }
0x4f: {  	_ =	shalt  }
0x50: {  	_ =	shalt  }
0x51: {  	_ =	shalt  }
0x52: {  	_ =	shalt  }
0x53: {  	_ =	shalt  }
0x54: {  	_ =	shalt  }
0x55: {  	_ =	shalt  }
0x56: {  	_ =	shalt  }
0x57: {  	_ =	shalt  }
0x58: {  	_ =	shalt  }
0x59: {  	_ =	shalt  }
0x5a: {  	_ =	shalt  }
0x5b: {  	_ =	shalt  }
0x5c: {  	_ =	shalt  }
0x5d: {  	_ =	shalt  }
0x5e: {  	_ =	shalt  }
0x5f: {  	_ =	shalt  }
0x60: {  	_ =	shalt  }
0x61: {  	_ =	shalt  }
0x62: {  	_ =	shalt  }
0x63: {  	_ =	shalt  }
0x64: {  	_ =	shalt  }
0x65: {  	_ =	shalt  }
0x66: {  	_ =	shalt  }
0x67: {  	_ =	shalt  }
0x68: {  	_ =	shalt  }
0x69: {  	_ =	shalt  }
0x6a: {  	_ =	shalt  }
0x6b: {  	_ =	shalt  }
0x6c: {  	_ =	shalt  }
0x6d: {  	_ =	shalt  }
0x6e: {  	_ =	shalt  }
0x6f: {  	_ =	shalt  }
0x70: {  	_ =	shalt  }
0x71: {  	_ =	shalt  }
0x72: {  	_ =	shalt  }
0x73: {  	_ =	shalt  }
0x74: {  	_ =	shalt  }
0x75: {  	_ =	shalt  }
0x76: {  	_ =	shalt  }
0x77: {  	_ =	shalt  }
0x78: {  	_ =	shalt  }
0x79: {  	_ =	shalt  }
0x7a: {  	_ =	shalt  }
0x7b: {  	_ =	shalt  }
0x7c: {  	_ =	shalt  }
0x7d: {  	_ =	shalt  }
0x7e: {  	_ =	shalt  }
0x7f: {  	_ =	shalt  }
0x80: {  	_ =	shalt  }
0x81: {  	_ =	shalt  }
0x82: {  	_ =	shalt  }
0x83: {  	_ =	shalt  }
0x84: {  	_ =	shalt  }
0x85: {  	_ =	shalt  }
0x86: {  	_ =	shalt  }
0x87: {  	_ =	shalt  }
.Lfunc_end0:
.L_simem_size_0:
called_computation_lowered:
.L_overlay_start_0:
0x88: {  	s2 =	sld [smem:$0x3FD9]  }
0x89: {  	s3 =	sld [smem:$0x3FFE];
	_ =	sdelay $0x1  }
0x8a: {  	s1 =	srdreg.scid  }
0x8b: {  	s0 =	sand.u32 $0x1, s1  }
0x8c: {  	s17 =	sshll.u32 s0, $0xA;
	s2 =	sadd.s32 s3, s2  }
0x8d: {  	s2 =	sadd.s32 s2, s17  }
0x8e: {  	[smem:$0x3FC6] =	sst s2  }
0x8f: {  	_ = 	snop  }
0x90: {  	s2 =	sld [smem:$0x3FC9]  }
0x91: {  	s18 =	sld [smem:$0x3FC8];
	(tm) =	ssettm $0x1  }
0x92: {  	s4 =	sld [smem:$0x3FFB];
	_ =	sdelay $0x3  }
0x93: {  	_ =	strace s4  }
0x94: {  	s4 =	sld [smem:$0x3FFC];
	_ =	sdelay $0x3  }
0x95: {  	_ =	strace s4  }
0x96: {  	s4 =	sld [smem:$0x3FFD];
	_ =	sdelay $0x3  }
0x97: {  	_ =	strace s4  }
0x98: {  	_ =	strace $0x8FFFFFFF  }
0x99: {  	s19 =	sld [smem:$0x3FDB];
	_ =	sdelay $0x1  }
0x9a: {  	s5 =	simm.s32 $_scs_section_size  }
0x9b: {  	s6 =	simm.s32 $_size__tile_overlayer_lowered;
	s7 =	simm.s32 $_tile_overlayer_lowered  }
0x9c: {  	s22 =	simm.s32 $0x1BFF;
	s21 =	sshll.u32 s7, $0x1;
	s4 =	sadd.s32 s5, s19  }
0x9d: {  	s8 =	simm.s32 $0x0;
	s20 =	sshll.u32 s6, $0x1;
	s6 =	sadd.s32 s21, s4  }
0x9e: {  	[timem:s8], [sflag:s22] =	dma.local [hbm:s6], s20  }
0x9f: {  	_ =	swait.ge [sflag:s22], s20  }
0xa0: {  	s5 =	ssub.s32 $0x0, s20;
	[sflag:s22] =	ssyncset.done $0x0  }
0xa1: {  	[sflag:s22] =	ssyncadd.s32 s5;
	_ =	sdelay $0x1  }
0xa2: {  	s23 =	simm.s32 $0x1B8B  }
0xa3: {  	_ =	swait.ge [sflag:s23], $0x1  }
0xa4: {  	[sflag:s23] =	ssyncset.done $0x0  }
0xa5: {  	s25 =	simm.s32 $0x1B8E;
	s24 =	sld [smem:$0x3FFE];
	[sflag:s23] =	ssyncadd.s32 $0xFFFFFFFF  }
0xa6: {  	s26 =	simm.s32 $execute0_lowered;
	[smem:$0x3FD2] =	sst s25  }
0xa7: {  	s6 =	sshll.u32 s26, $0x1;
	_ =	strace $0x80000046;
	[dreg:$0x1] =	wrdreg $0xFFFFFFFF  }
0xa8: {  	s28 =	simm.s32 $_size_execute0_lowered;
	s4 =	sadd.s32 s4, s6;
	[dreg:$0x0] =	wrdreg $0x0  }
0xa9: {  	s6 =	sshll.u32 s28, $0x1;
	[dreg:$0x2] =	wrdreg s4  }
0xaa: {  	[dreg:$0x3] =	wrdreg s6  }
0xab: {  	[dreg:$0x4] =	wrdreg $0xC0  }
0xac: {  	_ =	task [dreg:s8], $0x5FFFF  }
0xad: {  	[dreg:$0x1] =	wrdreg $0xFFFFFFFF  }
0xae: {  	[dreg:$0x0] =	wrdreg $0x60  }
0xaf: {  	[dreg:$0x2] =	wrdreg s2  }
0xb0: {  	[dreg:$0x3] =	wrdreg s18  }
0xb1: {  	[dreg:$0x4] =	wrdreg s24  }
0xb2: {  	[dreg:$0x5] =	wrdreg $0x9  }
0xb3: {  	_ =	task.clear_ibuf [dreg:s8], $0x6FFFF;
	_ =	strace $0x90000046  }
0xb4: {  	s29 =	simm.s32 $0x9;
	_ =	strace $0x80000048  }
0xb5: {  	_ =	swait.ge [sflag:s29], $0x1  }
0xb6: {  	[sflag:s29] =	ssyncadd.s32 $0xFFFFFFFF  }
0xb7: {  	_ =	strace $0x90000048  }
0xb8: {  	_ =	sfence  }
0xb9: {  	s30 =	sld [smem:$0x0];
	_ =	sdelay $0x2  }
0xba: {  	s31 =	sshll.u32 s1, $0xD;
	s1 =	sshrl.u32 s1, $0x2  }
0xbb: {  	s3 =	sand.u32 $0x4000, s31;
	s1 =	sadd.s32 s1, s30  }
0xbc: {  	s0 =	sor.u32 s3, s0;
	s1 =	sshll.u32 s1, $0x11  }
0xbd: {  	s0 =	sor.u32 s1, s0  }
0xbe: {  	s0 =	sadd.s32 $0x8F2B, s0  }
0xbf: {  	[sflag:s0] =	ssyncadd.remote.s32 $0x1  }
0xc0: {  	_ =	sfence.sel $0xFFFF  }
0xc1: {  	[dreg:$0x0] =	wrdreg $0xFFFFFFFF;
	(pc) =	sbr.abs _section_cstart, $3  }
0xc2: {  	[dreg:$0x1] =	wrdreg $0xFFFFFFFF  }
0xc3: {  	_ =	task.clear_ibuf [dreg:s8], $0x2FFFF;
	_ =	strace $0x9FFFFFFF  }
0xc4: {  	(tm) =	ssettm $0x7FFFFFFF  }
0xc5: {  	_ =	shalt  }
tec
execute0_lowered:
.L_overlay_start_1:
0x0: {  	(tag) =	ssettag $0x1  }
0x1: {  	s0 =	rddreg [dreg:$0x0]  }
0x2: {  	s2 =	rddreg [dreg:$0x1]  }
0x3: {  	s1 =	rddreg [dreg:$0x2]  }
0x4: {  	s3 =	srdreg.scid;
	s4 =	stileid.u32;
	s7 =	simm.s32 $0x0  }
0x5: {  	s21 =	simm.s32 $0x400;
	s9 =	simm.s32 $0x7A1400;
	s18 =	simm.s32 $0x200  }
0x6: {  	s8 =	simm.s32 $0x1200;
	s19 =	simm.s32 $0x2200;
	s22 =	simm.s32 $0x3200  }
0x7: {  	s28 =	simm.s32 $0x1;
	s30 =	simm.s32 $0x3;
	s3 =	sand.u32 $0x1, s3  }
0x8: {  	s31 =	simm.s32 $0x4;
	s4 =	sshll.u32 s4, $0xA;
	s5 =	sshll.u32 s3, $0x9  }
0x9: {  	[smem:$0x7FF] =	sst s7;
	s3 =	ssub.s32 $0x2, s3;
	s4 =	sor.u32 s5, s4  }
0xa: {  	s6 =	sshrl.u32 s3, $0x1;
	s5 =	sshll.u32 s4, $0x4;
	s4 =	sshrl.u32 s4, $0x3  }
0xb: {  	v0 =	vlaneseq.u32;
	_ =	strace $0x80000047;
	s3 =	ssub.s32 s3, s6;
	s0 =	sadd.s32 s0, s4  }
0xc: {  	v0 =	vmul.u32 $0x80, v0;
	s1 =	sadd.s32 s5, s1;
	s29 =	smax.u32 s3, $0x1;
	[dreg:$0x6] =	wrdreg s0  }
0xd: {  	s3 =	simm.s32 $0x0;
	s26 =	sadd.s32 $0x400, s1;
	[dreg:$0x8] =	wrdreg s29  }
0xe: {  	v1 =	vor.u32 $0x800, v0;
	s1 =	simm.s32 $0x9;
	[dreg:$0x7] =	wrdreg s26;
	s26 =	simm.s32 $0x2  }
.LBB2_1:
0xf: {  	[dreg:$0x9] =	wrdreg s3  }
0x10: {  	s0 =	rddreg [dreg:$0x6]  }
0x11: {  	[tilespmem:s7], [sflag:$0x9] =	stream.linear.gather [hbm4b:s0+s7], $0x200, $0x38;
	[tilespmem:$0x18200] =	vst v63  }
0x12: {  	_ =	swait.ge [sflag:s1], $0x200  }
0x13: {  	[sflag:s1] =	ssyncset.done $0x0  }
0x14: {  	s24 =	simm.s32 $0x0;
	[sflag:s1] =	ssyncadd.s32 $0xFFFFFE00  }
0x15: {  	v2 =	vld [tilespmem:s24+$0x0];
	_ =	sdelay $0x4  }
0x16: {  	(v2sf) =	vpush v2, $0x1  }
0x17: {  	(v2sf) =	vpush v2, $0x0  }
0x18: {  	(v2sf) =	vpush v2, $0x8  }
0x19: {  	(v2sf) =	vpush v2, $0x2;
	_ =	sdelay $0x1  }
0x1a: {  	(v2sf) =	vpush v2, $0x3  }
0x1b: {  	(v2sf) =	vpush v2, $0x4;
	_ =	sdelay $0x1  }
0x1c: {  	(v2sf) =	vpush v2, $0x5;
	_ =	sdelay $0x3  }
0x1d: {  	(v2sf) =	vpush v2, $0x6;
	_ =	sdelay $0x1  }
0x1e: {  	(v2sf) =	vpush v2, $0x7  }
0x1f: {  	s4 =	spop (v2sf)  }
0x20: {  	s1 =	spop (v2sf)  }
0x21: {  	s25 =	sand.u32 $0xFFFFF80, s1;
	s0 =	spop (v2sf)  }
0x22: {  	(v2sf) =	vpush v2, $0x9;
	s5 =	sand.u32 $0xFFFFF80, s4;
	s3 =	sadd.s32 s2, s25;
	s16 =	spop (v2sf)  }
0x23: {  	[tilespmem:s18], [sflag:$0x1] =	stream.strided.gather [hbm4b:s3+s21], $0x1000, s9, s21, $0x38;
	[tilespmem:$0x18200] =	vst v63  }
0x24: {  	s20 =	simm.s32 $0x4200;
	s5 =	sadd.s32 s2, s5;
	s15 =	spop (v2sf)  }
0x25: {  	s1 =	sand.u32 $0x7F, s1;
	s6 =	sand.u32 $0xFFFFF80, s16;
	s14 =	spop (v2sf)  }
0x26: {  	[tilespmem:s8], [sflag:$0x2] =	stream.strided.gather [hbm4b:s5+s21], $0x1000, s9, s21, $0x38;
	[tilespmem:$0x18200] =	vst v63  }
0x27: {  	s7 =	sadd.s32 s2, s6;
	s10 =	sand.u32 $0xFFFFF80, s15;
	s13 =	spop (v2sf)  }
0x28: {  	[tilespmem:s19], [sflag:$0x3] =	stream.strided.gather [hbm4b:s7+s21], $0x1000, s9, s21, $0x38;
	[tilespmem:$0x18200] =	vst v63  }
0x29: {  	(v2sf) =	vpush v2, $0xA;
	s11 =	sadd.s32 s2, s10;
	s12 =	sand.u32 $0xFFFFF80, s14;
	s23 =	sand.u32 $0xFFFFF80, s13  }
0x2a: {  	(v2sf) =	vpush v2, $0xB;
	[tilespmem:s22], [sflag:$0x4] =	stream.strided.gather [hbm4b:s11+s21], $0x1000, s9, s21, $0x38;
	[tilespmem:$0x18200] =	vst v63  }
0x2b: {  	(v2sf) =	vpush v2, $0xC;
	s17 =	sadd.s32 s2, s12;
	s12 =	spop (v2sf);
	s24 =	sadd.s32 s2, s23  }
0x2c: {  	(v2sf) =	vpush v2, $0xD;
	[tilespmem:s20], [sflag:$0x5] =	stream.strided.gather [hbm4b:s17+s21], $0x1000, s9, s21, $0x38;
	[tilespmem:$0x18200] =	vst v63  }
0x2d: {  	(v2sf) =	vpush v2, $0xE;
	s25 =	sand.u32 $0xFFFFF80, s12;
	s23 =	simm.s32 $0x5200;
	s11 =	spop (v2sf)  }
0x2e: {  	[tilespmem:s23], [sflag:$0x6] =	stream.strided.gather [hbm4b:s24+s21], $0x1000, s9, s21, $0x38;
	[tilespmem:$0x18200] =	vst v63  }
0x2f: {  	(v2sf) =	vpush v2, $0xF;
	s5 =	sadd.s32 s2, s25;
	s6 =	sand.u32 $0xFFFFF80, s11;
	s24 =	simm.s32 $0x6200  }
0x30: {  	[tilespmem:s24], [sflag:$0x7] =	stream.strided.gather [hbm4b:s5+s21], $0x1000, s9, s21, $0x38;
	[tilespmem:$0x18200] =	vst v63  }
0x31: {  	v2 =	vor.u32 s1, v0;
	s25 =	simm.s32 $0x7200;
	s7 =	sadd.s32 s2, s6;
	s10 =	spop (v2sf)  }
0x32: {  	v3 =	vor.u32 s1, v1;
	[tilespmem:s25], [sflag:$0x8] =	stream.strided.gather [hbm4b:s7+s21], $0x1000, s9, s21, $0x38;
	[tilespmem:$0x18200] =	vst v63  }
0x33: {  	_ =	swait.ge [sflag:s28], $0x1000  }
0x34: {  	[sflag:s28] =	ssyncset.done $0x0  }
0x35: {  	[sflag:s28] =	ssyncadd.s32 $0xFFFFF000  }
0x36: {  	v2 =	vld.idx.msk [tilespmem:v2+s18+$0x0], $0xffff  }
0x37: {  	v3 =	vld.idx.msk [tilespmem:v3+s18+$0x0], $0xffff  }
0x38: {  	s7 =	spop (v2sf)  }
0x39: {  	s6 =	spop (v2sf)  }
0x3a: {  	s29 =	simm.s32 $0x8600;
	s1 =	spop (v2sf)  }
0x3b: {  	s5 =	sand.u32 $0xFFFFF80, s0;
	s3 =	spop (v2sf);
	[tilespmem:s29+$0xFFFFFC00] =	vst v2  }
0x3c: {  	s17 =	sand.u32 $0x7F, s4;
	s5 =	sadd.s32 s2, s5;
	s4 =	spop (v2sf);
	[tilespmem:s29+$0xFFFFFC10] =	vst v3  }
0x3d: {  	v2 =	vor.u32 s17, v0;
	[tilespmem:s18], [sflag:$0x1] =	stream.strided.gather [hbm4b:s5+s21], $0x1000, s9, s21, $0x38;
	[tilespmem:$0x18200] =	vst v63  }
0x3e: {  	v3 =	vor.u32 s17, v1;
	s5 =	spop (v2sf)  }
0x3f: {  	_ =	swait.ge [sflag:s26], $0x1000  }
0x40: {  	[sflag:s26] =	ssyncset.done $0x0  }
0x41: {  	[sflag:s26] =	ssyncadd.s32 $0xFFFFF000  }
0x42: {  	v2 =	vld.idx.msk [tilespmem:v2+s8+$0x0], $0xffff  }
0x43: {  	v3 =	vld.idx.msk [tilespmem:v3+s8+$0x0], $0xffff;
	_ =	sdelay $0x3  }
0x44: {  	s16 =	sand.u32 $0x7F, s16;
	s17 =	sand.u32 $0xFFFFF80, s10;
	[tilespmem:s29+$0xFFFFFC80] =	vst v2  }
0x45: {  	s17 =	sadd.s32 s2, s17;
	[tilespmem:s29+$0xFFFFFC90] =	vst v3;
	v2 =	vor.u32 s16, v0  }
0x46: {  	v3 =	vor.u32 s16, v1;
	[tilespmem:s8], [sflag:$0x2] =	stream.strided.gather [hbm4b:s17+s21], $0x1000, s9, s21, $0x38;
	[tilespmem:$0x18200] =	vst v63  }
0x47: {  	_ =	swait.ge [sflag:s30], $0x1000  }
0x48: {  	[sflag:s30] =	ssyncset.done $0x0  }
0x49: {  	[sflag:s30] =	ssyncadd.s32 $0xFFFFF000  }
0x4a: {  	v2 =	vld.idx.msk [tilespmem:v2+s19+$0x0], $0xffff  }
0x4b: {  	v3 =	vld.idx.msk [tilespmem:v3+s19+$0x0], $0xffff;
	_ =	sdelay $0x3  }
0x4c: {  	s15 =	sand.u32 $0x7F, s15;
	s17 =	sand.u32 $0xFFFFF80, s7;
	[tilespmem:s29+$0xFFFFFD00] =	vst v2  }
0x4d: {  	s16 =	sadd.s32 s2, s17;
	[tilespmem:s29+$0xFFFFFD10] =	vst v3;
	v2 =	vor.u32 s15, v0  }
0x4e: {  	v3 =	vor.u32 s15, v1;
	[tilespmem:s19], [sflag:$0x3] =	stream.strided.gather [hbm4b:s16+s21], $0x1000, s9, s21, $0x38;
	[tilespmem:$0x18200] =	vst v63  }
0x4f: {  	_ =	swait.ge [sflag:s31], $0x1000  }
0x50: {  	[sflag:s31] =	ssyncset.done $0x0  }
0x51: {  	[sflag:s31] =	ssyncadd.s32 $0xFFFFF000  }
0x52: {  	v2 =	vld.idx.msk [tilespmem:v2+s22+$0x0], $0xffff  }
0x53: {  	v3 =	vld.idx.msk [tilespmem:v3+s22+$0x0], $0xffff;
	_ =	sdelay $0x3  }
0x54: {  	s17 =	sand.u32 $0xFFFFF80, s6;
	[tilespmem:s29+$0xFFFFFD80] =	vst v2  }
0x55: {  	s14 =	sand.u32 $0x7F, s14;
	s15 =	sadd.s32 s2, s17;
	[tilespmem:s29+$0xFFFFFD90] =	vst v3  }
0x56: {  	v2 =	vor.u32 s14, v0;
	[tilespmem:s22], [sflag:$0x4] =	stream.strided.gather [hbm4b:s15+s21], $0x1000, s9, s21, $0x38;
	[tilespmem:$0x18200] =	vst v63  }
0x57: {  	v3 =	vor.u32 s14, v1;
	s15 =	simm.s32 $0x5  }
0x58: {  	_ =	swait.ge [sflag:s15], $0x1000  }
0x59: {  	[sflag:s15] =	ssyncset.done $0x0  }
0x5a: {  	[sflag:s15] =	ssyncadd.s32 $0xFFFFF000  }
0x5b: {  	v2 =	vld.idx.msk [tilespmem:v2+s20+$0x0], $0xffff  }
0x5c: {  	v3 =	vld.idx.msk [tilespmem:v3+s20+$0x0], $0xffff;
	_ =	sdelay $0x3  }
0x5d: {  	s13 =	sand.u32 $0x7F, s13;
	s16 =	sand.u32 $0xFFFFF80, s1;
	[tilespmem:s29+$0xFFFFFE00] =	vst v2  }
0x5e: {  	s17 =	simm.s32 $0x6;
	s14 =	sadd.s32 s2, s16;
	[tilespmem:s29+$0xFFFFFE10] =	vst v3;
	v2 =	vor.u32 s13, v0  }
0x5f: {  	v3 =	vor.u32 s13, v1;
	[tilespmem:s20], [sflag:$0x5] =	stream.strided.gather [hbm4b:s14+s21], $0x1000, s9, s21, $0x38;
	[tilespmem:$0x18200] =	vst v63  }
0x60: {  	_ =	swait.ge [sflag:s17], $0x1000  }
0x61: {  	[sflag:s17] =	ssyncset.done $0x0  }
0x62: {  	[sflag:s17] =	ssyncadd.s32 $0xFFFFF000  }
0x63: {  	v2 =	vld.idx.msk [tilespmem:v2+s23+$0x0], $0xffff  }
0x64: {  	v3 =	vld.idx.msk [tilespmem:v3+s23+$0x0], $0xffff;
	_ =	sdelay $0x3  }
0x65: {  	s20 =	sand.u32 $0xFFFFF80, s3;
	[tilespmem:s29+$0xFFFFFE80] =	vst v2  }
0x66: {  	s12 =	sand.u32 $0x7F, s12;
	s13 =	sadd.s32 s2, s20;
	[tilespmem:s29+$0xFFFFFE90] =	vst v3  }
0x67: {  	v2 =	vor.u32 s12, v0;
	[tilespmem:s23], [sflag:$0x6] =	stream.strided.gather [hbm4b:s13+s21], $0x1000, s9, s21, $0x38;
	[tilespmem:$0x18200] =	vst v63  }
0x68: {  	v3 =	vor.u32 s12, v1;
	s13 =	simm.s32 $0x7  }
0x69: {  	_ =	swait.ge [sflag:s13], $0x1000  }
0x6a: {  	[sflag:s13] =	ssyncset.done $0x0  }
0x6b: {  	[sflag:s13] =	ssyncadd.s32 $0xFFFFF000  }
0x6c: {  	v2 =	vld.idx.msk [tilespmem:v2+s24+$0x0], $0xffff  }
0x6d: {  	v3 =	vld.idx.msk [tilespmem:v3+s24+$0x0], $0xffff;
	_ =	sdelay $0x3  }
0x6e: {  	s11 =	sand.u32 $0x7F, s11;
	s14 =	sand.u32 $0xFFFFF80, s4;
	[tilespmem:s29+$0xFFFFFF00] =	vst v2  }
0x6f: {  	s16 =	simm.s32 $0x8;
	s12 =	sadd.s32 s2, s14;
	[tilespmem:s29+$0xFFFFFF10] =	vst v3;
	v2 =	vor.u32 s11, v0  }
0x70: {  	v3 =	vor.u32 s11, v1;
	[tilespmem:s24], [sflag:$0x7] =	stream.strided.gather [hbm4b:s12+s21], $0x1000, s9, s21, $0x38;
	[tilespmem:$0x18200] =	vst v63  }
0x71: {  	_ =	swait.ge [sflag:s16], $0x1000  }
0x72: {  	[sflag:s16] =	ssyncset.done $0x0  }
0x73: {  	[sflag:s16] =	ssyncadd.s32 $0xFFFFF000  }
0x74: {  	v2 =	vld.idx.msk [tilespmem:v2+s25+$0x0], $0xffff  }
0x75: {  	v3 =	vld.idx.msk [tilespmem:v3+s25+$0x0], $0xffff;
	_ =	sdelay $0x3  }
0x76: {  	s0 =	sand.u32 $0x7F, s0;
	s17 =	sand.u32 $0xFFFFF80, s5;
	[tilespmem:s29+$0xFFFFFF80] =	vst v2  }
0x77: {  	s11 =	sadd.s32 s2, s17;
	[tilespmem:s29+$0xFFFFFF90] =	vst v3;
	v2 =	vor.u32 s0, v0  }
0x78: {  	v3 =	vor.u32 s0, v1;
	[tilespmem:s25], [sflag:$0x8] =	stream.strided.gather [hbm4b:s11+s21], $0x1000, s9, s21, $0x38;
	[tilespmem:$0x18200] =	vst v63  }
0x79: {  	_ =	swait.ge [sflag:s28], $0x1000  }
0x7a: {  	[sflag:s28] =	ssyncset.done $0x0  }
0x7b: {  	[sflag:s28] =	ssyncadd.s32 $0xFFFFF000  }
0x7c: {  	v2 =	vld.idx.msk [tilespmem:v2+s18+$0x0], $0xffff  }
0x7d: {  	v3 =	vld.idx.msk [tilespmem:v3+s18+$0x0], $0xffff;
	_ =	sdelay $0x2  }
0x7e: {  	s20 =	sand.u32 $0x7F, s10  }
0x7f: {  	v4 =	vor.u32 s20, v1;
	[tilespmem:s29+$0x0] =	vst v2  }
0x80: {  	v2 =	vor.u32 s20, v0;
	[tilespmem:s29+$0x10] =	vst v3  }
0x81: {  	_ =	swait.ge [sflag:s26], $0x1000  }
0x82: {  	[sflag:s26] =	ssyncset.done $0x0  }
0x83: {  	[sflag:s26] =	ssyncadd.s32 $0xFFFFF000  }
0x84: {  	v3 =	vld.idx.msk [tilespmem:v4+s8+$0x0], $0xffff  }
0x85: {  	v2 =	vld.idx.msk [tilespmem:v2+s8+$0x0], $0xffff;
	_ =	sdelay $0x2  }
0x86: {  	s23 =	sand.u32 $0x7F, s7  }
0x87: {  	v4 =	vor.u32 s23, v1;
	[tilespmem:s29+$0x90] =	vst v3  }
0x88: {  	[tilespmem:s29+$0x80] =	vst v2;
	v2 =	vor.u32 s23, v0  }
0x89: {  	_ =	swait.ge [sflag:s30], $0x1000  }
0x8a: {  	[sflag:s30] =	ssyncset.done $0x0  }
0x8b: {  	[sflag:s30] =	ssyncadd.s32 $0xFFFFF000  }
0x8c: {  	v3 =	vld.idx.msk [tilespmem:v4+s19+$0x0], $0xffff  }
0x8d: {  	v2 =	vld.idx.msk [tilespmem:v2+s19+$0x0], $0xffff;
	_ =	sdelay $0x2  }
0x8e: {  	s24 =	sand.u32 $0x7F, s6  }
0x8f: {  	[tilespmem:s29+$0x110] =	vst v3;
	v3 =	vor.u32 s24, v1  }
0x90: {  	[tilespmem:s29+$0x100] =	vst v2;
	v2 =	vor.u32 s24, v0  }
0x91: {  	_ =	swait.ge [sflag:s31], $0x1000  }
0x92: {  	[sflag:s31] =	ssyncset.done $0x0  }
0x93: {  	[sflag:s31] =	ssyncadd.s32 $0xFFFFF000  }
0x94: {  	v3 =	vld.idx.msk [tilespmem:v3+s22+$0x0], $0xffff  }
0x95: {  	v2 =	vld.idx.msk [tilespmem:v2+s22+$0x0], $0xffff;
	_ =	sdelay $0x3  }
0x96: {  	[tilespmem:s29+$0x190] =	vst v3  }
0x97: {  	s0 =	sand.u32 $0x7F, s5;
	s25 =	sand.u32 $0x7F, s1;
	[tilespmem:s29+$0x180] =	vst v2  }
0x98: {  	s1 =	sand.u32 $0x7F, s4;
	s26 =	sand.u32 $0x7F, s3;
	_ =	swait.ge [sflag:s15], $0x1000  }
0x99: {  	s30 =	simm.s32 $0x8600;
	s31 =	simm.s32 $0x40;
	v3 =	vor.u32 s25, v0;
	v2 =	vor.u32 s25, v1;
	[sflag:s15] =	ssyncset.done $0x0  }
.LBB2_2:
0x9a: {  	_ =	sdelay $0x1  }
0x9b: {  	s3 =	simm.s32 $0x5  }
0x9c: {  	s13 =	simm.s32 $0x4200;
	[sflag:s3] =	ssyncadd.s32 $0xFFFFF000  }
0x9d: {  	v3 =	vld.idx.msk [tilespmem:v3+s13+$0x0], $0xffff  }
0x9e: {  	v2 =	vld.idx.msk [tilespmem:v2+s13+$0x0], $0xffff;
	_ =	sdelay $0x3  }
0x9f: {  	[tilespmem:s30+$0x200] =	vst v3;
	v3 =	vor.u32 s26, v0  }
0xa0: {  	s4 =	simm.s32 $0x6;
	[tilespmem:s30+$0x210] =	vst v2;
	v2 =	vor.u32 s26, v1  }
0xa1: {  	_ =	swait.ge [sflag:s4], $0x1000  }
0xa2: {  	[sflag:s4] =	ssyncset.done $0x0  }
0xa3: {  	s25 =	simm.s32 $0x5200;
	[sflag:s4] =	ssyncadd.s32 $0xFFFFF000  }
0xa4: {  	v3 =	vld.idx.msk [tilespmem:v3+s25+$0x0], $0xffff  }
0xa5: {  	v2 =	vld.idx.msk [tilespmem:v2+s25+$0x0], $0xffff;
	_ =	sdelay $0x3  }
0xa6: {  	[tilespmem:s30+$0x280] =	vst v3;
	v3 =	vor.u32 s1, v0  }
0xa7: {  	s26 =	simm.s32 $0x7;
	[tilespmem:s30+$0x290] =	vst v2;
	v2 =	vor.u32 s1, v1  }
0xa8: {  	_ =	swait.ge [sflag:s26], $0x1000  }
0xa9: {  	[sflag:s26] =	ssyncset.done $0x0  }
0xaa: {  	s4 =	simm.s32 $0x6200;
	[sflag:s26] =	ssyncadd.s32 $0xFFFFF000  }
0xab: {  	v3 =	vld.idx.msk [tilespmem:v3+s4+$0x0], $0xffff  }
0xac: {  	v2 =	vld.idx.msk [tilespmem:v2+s4+$0x0], $0xffff;
	_ =	sdelay $0x3  }
0xad: {  	[tilespmem:s30+$0x300] =	vst v3;
	v3 =	vor.u32 s0, v0  }
0xae: {  	v4 =	vor.u32 s0, v1;
	s5 =	simm.s32 $0x8;
	[tilespmem:s30+$0x310] =	vst v2  }
0xaf: {  	_ =	swait.ge [sflag:s5], $0x1000  }
0xb0: {  	[sflag:s5] =	ssyncset.done $0x0  }
0xb1: {  	s6 =	simm.s32 $0x7200;
	[sflag:s5] =	ssyncadd.s32 $0xFFFFF000  }
0xb2: {  	v2 =	vld.idx.msk [tilespmem:v3+s6+$0x0], $0xffff  }
0xb3: {  	v3 =	vld.idx.msk [tilespmem:v4+s6+$0x0], $0xffff;
	_ =	sdelay $0x3  }
0xb4: {  	s24 =	smov.u32 s31;
	[tilespmem:s30+$0x380] =	vst v2  }
0xb5: {  	s3 =	sshra.s32 s24, $0x2;
	[tilespmem:s30+$0x390] =	vst v3  }
0xb6: {  	v2 =	vld [tilespmem:s3+$0x0];
	_ =	sdelay $0x4  }
0xb7: {  	(v2sf) =	vpush v2, $0x1  }
0xb8: {  	(v2sf) =	vpush v2, $0x0  }
0xb9: {  	(v2sf) =	vpush v2, $0x8  }
0xba: {  	(v2sf) =	vpush v2, $0x2;
	_ =	sdelay $0x1  }
0xbb: {  	(v2sf) =	vpush v2, $0x3;
	_ =	sdelay $0x1  }
0xbc: {  	(v2sf) =	vpush v2, $0x4;
	_ =	sdelay $0x1  }
0xbd: {  	(v2sf) =	vpush v2, $0x5;
	_ =	sdelay $0x1  }
0xbe: {  	(v2sf) =	vpush v2, $0x6;
	_ =	sdelay $0x1  }
0xbf: {  	(v2sf) =	vpush v2, $0x7;
	_ =	sdelay $0x1  }
0xc0: {  	s15 =	simm.s32 $0x5200;
	s7 =	spop (v2sf)  }
0xc1: {  	s14 =	simm.s32 $0x6200;
	s10 =	sand.u32 $0xFFFFF80, s7;
	s11 =	spop (v2sf)  }
0xc2: {  	s16 =	sand.u32 $0x7F, s7;
	s17 =	sand.u32 $0xFFFFF80, s11;
	s0 =	spop (v2sf);
	(v2sf) =	vpush v2, $0x9  }
0xc3: {  	s4 =	sand.u32 $0x7F, s11;
	s3 =	sadd.s32 s2, s17;
	s5 =	spop (v2sf)  }
0xc4: {  	[tilespmem:s18], [sflag:$0x1] =	stream.strided.gather [hbm4b:s3+s21], $0x1000, s9, s21, $0x38;
	[tilespmem:$0x18200] =	vst v63  }
0xc5: {  	s1 =	sadd.s32 s2, s10;
	s18 =	sand.u32 $0xFFFFF80, s5;
	s6 =	spop (v2sf)  }
0xc6: {  	[tilespmem:s8], [sflag:$0x2] =	stream.strided.gather [hbm4b:s1+s21], $0x1000, s9, s21, $0x38;
	[tilespmem:$0x18200] =	vst v63  }
0xc7: {  	(v2sf) =	vpush v2, $0xA;
	s23 =	sadd.s32 s2, s18;
	s24 =	sand.u32 $0xFFFFF80, s6;
	s7 =	spop (v2sf)  }
0xc8: {  	(v2sf) =	vpush v2, $0xB;
	[tilespmem:s19], [sflag:$0x3] =	stream.strided.gather [hbm4b:s23+s21], $0x1000, s9, s21, $0x38;
	[tilespmem:$0x18200] =	vst v63  }
0xc9: {  	(v2sf) =	vpush v2, $0xC;
	s25 =	sadd.s32 s2, s24;
	s26 =	sand.u32 $0xFFFFF80, s7;
	s10 =	spop (v2sf)  }
0xca: {  	(v2sf) =	vpush v2, $0xD;
	[tilespmem:s22], [sflag:$0x4] =	stream.strided.gather [hbm4b:s25+s21], $0x1000, s9, s21, $0x38;
	[tilespmem:$0x18200] =	vst v63  }
0xcb: {  	(v2sf) =	vpush v2, $0xE;
	s3 =	sadd.s32 s2, s26;
	s8 =	sand.u32 $0xFFFFF80, s10;
	s11 =	spop (v2sf)  }
0xcc: {  	(v2sf) =	vpush v2, $0xF;
	[tilespmem:s13], [sflag:$0x5] =	stream.strided.gather [hbm4b:s3+s21], $0x1000, s9, s21, $0x38;
	[tilespmem:$0x18200] =	vst v63  }
0xcd: {  	s17 =	sadd.s32 s2, s8;
	s18 =	sand.u32 $0xFFFFF80, s11;
	s13 =	spop (v2sf)  }
0xce: {  	[tilespmem:s15], [sflag:$0x6] =	stream.strided.gather [hbm4b:s17+s21], $0x1000, s9, s21, $0x38;
	[tilespmem:$0x18200] =	vst v63  }
0xcf: {  	s12 =	simm.s32 $0x7200;
	s19 =	sadd.s32 s2, s18;
	s23 =	sand.u32 $0xFFFFF80, s13  }
0xd0: {  	[tilespmem:s14], [sflag:$0x7] =	stream.strided.gather [hbm4b:s19+s21], $0x1000, s9, s21, $0x38;
	[tilespmem:$0x18200] =	vst v63  }
0xd1: {  	v2 =	vor.u32 s4, v0;
	s22 =	sand.u32 $0x7F, s5;
	s24 =	sadd.s32 s2, s23;
	s5 =	spop (v2sf)  }
0xd2: {  	v3 =	vor.u32 s4, v1;
	[tilespmem:s12], [sflag:$0x8] =	stream.strided.gather [hbm4b:s24+s21], $0x1000, s9, s21, $0x38;
	[tilespmem:$0x18200] =	vst v63  }
0xd3: {  	_ =	swait.ge [sflag:s28], $0x1000  }
0xd4: {  	[sflag:s28] =	ssyncset.done $0x0  }
0xd5: {  	s8 =	simm.s32 $0x200;
	[sflag:s28] =	ssyncadd.s32 $0xFFFFF000  }
0xd6: {  	s20 =	sand.u32 $0xFFFFF80, s0;
	s25 =	spop (v2sf);
	v2 =	vld.idx.msk [tilespmem:v2+s8+$0x0], $0xffff  }
0xd7: {  	s29 =	sadd.s32 $0x800, s29;
	s20 =	sadd.s32 s2, s20;
	s3 =	spop (v2sf);
	v3 =	vld.idx.msk [tilespmem:v3+s8+$0x0], $0xffff  }
0xd8: {  	s4 =	simm.s32 $0x7A1400;
	s18 =	sand.u32 $0x7F, s6;
	s26 =	spop (v2sf)  }
0xd9: {  	s17 =	sand.u32 $0x7F, s7;
	s7 =	sand.u32 $0x7F, s0;
	s24 =	spop (v2sf)  }
0xda: {  	s21 =	sand.u32 $0xFFFFF80, s25;
	s6 =	sand.u32 $0x7F, s25;
	s0 =	spop (v2sf)  }
0xdb: {  	s15 =	sand.u32 $0xFFFFF80, s26;
	s26 =	sand.u32 $0x7F, s26;
	s25 =	spop (v2sf);
	[tilespmem:s29+$0xFFFFFC00] =	vst v2  }
0xdc: {  	s9 =	simm.s32 $0x400;
	[dreg:$0x4] =	wrdreg s26;
	s1 =	sand.u32 $0xFFFFF80, s25;
	[tilespmem:s29+$0xFFFFFC10] =	vst v3  }
0xdd: {  	v2 =	vor.u32 s16, v0;
	[tilespmem:s8], [sflag:$0x1] =	stream.strided.gather [hbm4b:s20+s9], $0x1000, s4, s9, $0x38;
	[tilespmem:$0x18200] =	vst v63  }
0xde: {  	[dreg:$0x5] =	wrdreg s1;
	v3 =	vor.u32 s16, v1;
	s20 =	simm.s32 $0x2  }
0xdf: {  	_ =	swait.ge [sflag:s20], $0x1000  }
0xe0: {  	[sflag:s20] =	ssyncset.done $0x0  }
0xe1: {  	s8 =	simm.s32 $0x1200;
	[sflag:s20] =	ssyncadd.s32 $0xFFFFF000  }
0xe2: {  	v2 =	vld.idx.msk [tilespmem:v2+s8+$0x0], $0xffff  }
0xe3: {  	v3 =	vld.idx.msk [tilespmem:v3+s8+$0x0], $0xffff;
	_ =	sdelay $0x3  }
0xe4: {  	s23 =	sand.u32 $0xFFFFF80, s5;
	[tilespmem:s29+$0xFFFFFC80] =	vst v2  }
0xe5: {  	s23 =	sadd.s32 s2, s23;
	[tilespmem:s29+$0xFFFFFC90] =	vst v3  }
0xe6: {  	v2 =	vor.u32 s22, v0;
	[tilespmem:s8], [sflag:$0x2] =	stream.strided.gather [hbm4b:s23+s9], $0x1000, s4, s9, $0x38;
	[tilespmem:$0x18200] =	vst v63  }
0xe7: {  	v3 =	vor.u32 s22, v1;
	s23 =	simm.s32 $0x3  }
0xe8: {  	_ =	swait.ge [sflag:s23], $0x1000  }
0xe9: {  	[sflag:s23] =	ssyncset.done $0x0  }
0xea: {  	s28 =	simm.s32 $0x2200;
	[sflag:s23] =	ssyncadd.s32 $0xFFFFF000  }
0xeb: {  	v2 =	vld.idx.msk [tilespmem:v2+s28+$0x0], $0xffff  }
0xec: {  	v3 =	vld.idx.msk [tilespmem:v3+s28+$0x0], $0xffff;
	_ =	sdelay $0x2  }
0xed: {  	s14 =	sand.u32 $0x7F, s10;
	s10 =	sand.u32 $0x7F, s13  }
0xee: {  	s13 =	sand.u32 $0xFFFFF80, s24;
	s26 =	sand.u32 $0x7F, s24;
	s24 =	sadd.s32 s2, s21;
	[tilespmem:s29+$0xFFFFFD00] =	vst v2  }
0xef: {  	s21 =	simm.s32 $0x400;
	s9 =	simm.s32 $0x7A1400;
	s4 =	simm.s32 $0x4;
	[tilespmem:s29+$0xFFFFFD10] =	vst v3;
	v2 =	vor.u32 s18, v0  }
0xf0: {  	v3 =	vor.u32 s18, v1;
	[tilespmem:s28], [sflag:$0x3] =	stream.strided.gather [hbm4b:s24+s21], $0x1000, s9, s21, $0x38;
	[tilespmem:$0x18200] =	vst v63  }
0xf1: {  	_ =	swait.ge [sflag:s4], $0x1000  }
0xf2: {  	[sflag:s4] =	ssyncset.done $0x0  }
0xf3: {  	s22 =	simm.s32 $0x3200;
	[sflag:s4] =	ssyncadd.s32 $0xFFFFF000  }
0xf4: {  	v2 =	vld.idx.msk [tilespmem:v2+s22+$0x0], $0xffff  }
0xf5: {  	v3 =	vld.idx.msk [tilespmem:v3+s22+$0x0], $0xffff;
	_ =	sdelay $0x2  }
0xf6: {  	s12 =	sand.u32 $0x7F, s11  }
0xf7: {  	s19 =	sand.u32 $0xFFFFF80, s3;
	s11 =	sand.u32 $0xFFFFF80, s0;
	s1 =	sand.u32 $0x7F, s0;
	[tilespmem:s29+$0xFFFFFD80] =	vst v2  }
0xf8: {  	s0 =	sand.u32 $0x7F, s25;
	s25 =	sadd.s32 s2, s19;
	s24 =	simm.s32 $0x5;
	[tilespmem:s29+$0xFFFFFD90] =	vst v3;
	v2 =	vor.u32 s17, v0  }
0xf9: {  	v3 =	vor.u32 s17, v1;
	[tilespmem:s22], [sflag:$0x4] =	stream.strided.gather [hbm4b:s25+s21], $0x1000, s9, s21, $0x38;
	[tilespmem:$0x18200] =	vst v63  }
0xfa: {  	_ =	swait.ge [sflag:s24], $0x1000  }
0xfb: {  	[sflag:s24] =	ssyncset.done $0x0  }
0xfc: {  	s25 =	simm.s32 $0x4200;
	[sflag:s24] =	ssyncadd.s32 $0xFFFFF000  }
0xfd: {  	v2 =	vld.idx.msk [tilespmem:v2+s25+$0x0], $0xffff  }
0xfe: {  	v3 =	vld.idx.msk [tilespmem:v3+s25+$0x0], $0xffff;
	_ =	sdelay $0x3  }
0xff: {  	[tilespmem:s29+$0xFFFFFE00] =	vst v2  }
0x100: {  	s15 =	sadd.s32 s2, s15;
	s24 =	simm.s32 $0x4200;
	s25 =	simm.s32 $0x6;
	[tilespmem:s29+$0xFFFFFE10] =	vst v3;
	v2 =	vor.u32 s14, v0  }
0x101: {  	v3 =	vor.u32 s14, v1;
	[tilespmem:s24], [sflag:$0x5] =	stream.strided.gather [hbm4b:s15+s21], $0x1000, s9, s21, $0x38;
	[tilespmem:$0x18200] =	vst v63  }
0x102: {  	_ =	swait.ge [sflag:s25], $0x1000  }
0x103: {  	s17 =	simm.s32 $0x6;
	[sflag:s25] =	ssyncset.done $0x0  }
0x104: {  	s24 =	simm.s32 $0x5200;
	[sflag:s17] =	ssyncadd.s32 $0xFFFFF000  }
0x105: {  	v2 =	vld.idx.msk [tilespmem:v2+s24+$0x0], $0xffff  }
0x106: {  	v3 =	vld.idx.msk [tilespmem:v3+s24+$0x0], $0xffff;
	_ =	sdelay $0x3  }
0x107: {  	[tilespmem:s29+$0xFFFFFE80] =	vst v2  }
0x108: {  	s13 =	sadd.s32 s2, s13;
	s15 =	simm.s32 $0x7;
	s25 =	simm.s32 $0x5200;
	[tilespmem:s29+$0xFFFFFE90] =	vst v3;
	v2 =	vor.u32 s12, v0  }
0x109: {  	v3 =	vor.u32 s12, v1;
	[tilespmem:s25], [sflag:$0x6] =	stream.strided.gather [hbm4b:s13+s21], $0x1000, s9, s21, $0x38;
	[tilespmem:$0x18200] =	vst v63  }
0x10a: {  	_ =	swait.ge [sflag:s15], $0x1000  }
0x10b: {  	s17 =	simm.s32 $0x7;
	[sflag:s15] =	ssyncset.done $0x0  }
0x10c: {  	s24 =	simm.s32 $0x6200;
	[sflag:s17] =	ssyncadd.s32 $0xFFFFF000  }
0x10d: {  	v2 =	vld.idx.msk [tilespmem:v2+s24+$0x0], $0xffff  }
0x10e: {  	v3 =	vld.idx.msk [tilespmem:v3+s24+$0x0], $0xffff;
	_ =	sdelay $0x3  }
0x10f: {  	[tilespmem:s29+$0xFFFFFF00] =	vst v2  }
0x110: {  	s11 =	sadd.s32 s2, s11;
	s25 =	simm.s32 $0x6200;
	s13 =	simm.s32 $0x8;
	[tilespmem:s29+$0xFFFFFF10] =	vst v3;
	v2 =	vor.u32 s10, v0  }
0x111: {  	v3 =	vor.u32 s10, v1;
	[tilespmem:s25], [sflag:$0x7] =	stream.strided.gather [hbm4b:s11+s21], $0x1000, s9, s21, $0x38;
	[tilespmem:$0x18200] =	vst v63  }
0x112: {  	_ =	swait.ge [sflag:s13], $0x1000  }
0x113: {  	s14 =	simm.s32 $0x8;
	[sflag:s13] =	ssyncset.done $0x0  }
0x114: {  	s15 =	simm.s32 $0x7200;
	[sflag:s14] =	ssyncadd.s32 $0xFFFFF000  }
0x115: {  	v2 =	vld.idx.msk [tilespmem:v2+s15+$0x0], $0xffff  }
0x116: {  	v3 =	vld.idx.msk [tilespmem:v3+s15+$0x0], $0xffff;
	_ =	sdelay $0x3  }
0x117: {  	s24 =	rddreg [dreg:$0x5];
	[tilespmem:s29+$0xFFFFFF80] =	vst v2  }
0x118: {  	s28 =	simm.s32 $0x1;
	s17 =	simm.s32 $0x7200;
	s10 =	sadd.s32 s2, s24;
	[tilespmem:s29+$0xFFFFFF90] =	vst v3;
	v2 =	vor.u32 s7, v0  }
0x119: {  	v3 =	vor.u32 s7, v1;
	[tilespmem:s17], [sflag:$0x8] =	stream.strided.gather [hbm4b:s10+s21], $0x1000, s9, s21, $0x38;
	[tilespmem:$0x18200] =	vst v63  }
0x11a: {  	_ =	swait.ge [sflag:s28], $0x1000  }
0x11b: {  	[sflag:s28] =	ssyncset.done $0x0  }
0x11c: {  	s18 =	simm.s32 $0x200;
	[sflag:s28] =	ssyncadd.s32 $0xFFFFF000  }
0x11d: {  	v2 =	vld.idx.msk [tilespmem:v2+s18+$0x0], $0xffff  }
0x11e: {  	v3 =	vld.idx.msk [tilespmem:v3+s18+$0x0], $0xffff;
	_ =	sdelay $0x2  }
0x11f: {  	s5 =	sand.u32 $0x7F, s5  }
0x120: {  	[tilespmem:s29+$0x0] =	vst v2;
	v2 =	vor.u32 s5, v0  }
0x121: {  	[tilespmem:s29+$0x10] =	vst v3;
	v3 =	vor.u32 s5, v1  }
0x122: {  	_ =	swait.ge [sflag:s20], $0x1000  }
0x123: {  	[sflag:s20] =	ssyncset.done $0x0  }
0x124: {  	[sflag:s20] =	ssyncadd.s32 $0xFFFFF000  }
0x125: {  	v2 =	vld.idx.msk [tilespmem:v2+s8+$0x0], $0xffff  }
0x126: {  	v3 =	vld.idx.msk [tilespmem:v3+s8+$0x0], $0xffff;
	_ =	sdelay $0x3  }
0x127: {  	[tilespmem:s29+$0x80] =	vst v2;
	v2 =	vor.u32 s6, v0  }
0x128: {  	[tilespmem:s29+$0x90] =	vst v3;
	v3 =	vor.u32 s6, v1  }
0x129: {  	_ =	swait.ge [sflag:s23], $0x1000  }
0x12a: {  	[sflag:s23] =	ssyncset.done $0x0  }
0x12b: {  	s19 =	simm.s32 $0x2200;
	[sflag:s23] =	ssyncadd.s32 $0xFFFFF000  }
0x12c: {  	v2 =	vld.idx.msk [tilespmem:v2+s19+$0x0], $0xffff  }
0x12d: {  	v3 =	vld.idx.msk [tilespmem:v3+s19+$0x0], $0xffff;
	_ =	sdelay $0x2  }
0x12e: {  	s3 =	sand.u32 $0x7F, s3  }
0x12f: {  	[tilespmem:s29+$0x100] =	vst v2;
	v2 =	vor.u32 s3, v0  }
0x130: {  	[tilespmem:s29+$0x110] =	vst v3;
	v3 =	vor.u32 s3, v1  }
0x131: {  	_ =	swait.ge [sflag:s4], $0x1000  }
0x132: {  	[sflag:s4] =	ssyncset.done $0x0  }
0x133: {  	[sflag:s4] =	ssyncadd.s32 $0xFFFFF000  }
0x134: {  	v2 =	vld.idx.msk [tilespmem:v2+s22+$0x0], $0xffff  }
0x135: {  	v4 =	vld.idx.msk [tilespmem:v3+s22+$0x0], $0xffff;
	_ =	sdelay $0x1  }
0x136: {  	p0 =	sne.s32 s31, $0x7C0  }
.Ltmp0:
0x137: {  	_ = 	snop;
	(pc) =	sbr.rel @p0 .LBB2_2-.Ltmp0, $4  }
0x138: {  	[tilespmem:s29+$0x180] =	vst v2  }
0x139: {  	s16 =	simm.s32 $0x5;
	[tilespmem:s29+$0x190] =	vst v4  }
0x13a: {  	s31 =	sadd.s32 $0x40, s31;
	s25 =	rddreg [dreg:$0x4];
	_ =	swait.ge [sflag:s16], $0x1000  }
0x13b: {  	s30 =	smov.u32 s29;
	s3 =	simm.s32 $0x5;
	v3 =	vor.u32 s25, v0;
	v2 =	vor.u32 s25, v1;
	[sflag:s16] =	ssyncset.done $0x0  }
0x13c: {  	_ =	sdelay $0x2  }
0x13d: {  	[sflag:s3] =	ssyncadd.s32 $0xFFFFF000;
	s13 =	simm.s32 $0x4200  }
0x13e: {  	v3 =	vld.idx.msk [tilespmem:v3+s13+$0x0], $0xffff  }
0x13f: {  	v2 =	vld.idx.msk [tilespmem:v2+s13+$0x0], $0xffff;
	_ =	sdelay $0x3  }
0x140: {  	[tilespmem:s30+$0x200] =	vst v3;
	v3 =	vor.u32 s26, v0  }
0x141: {  	s14 =	simm.s32 $0x6;
	[tilespmem:s30+$0x210] =	vst v2;
	v2 =	vor.u32 s26, v1  }
0x142: {  	_ =	swait.ge [sflag:s14], $0x1000  }
0x143: {  	[sflag:s14] =	ssyncset.done $0x0  }
0x144: {  	s15 =	simm.s32 $0x5200;
	[sflag:s14] =	ssyncadd.s32 $0xFFFFF000  }
0x145: {  	v3 =	vld.idx.msk [tilespmem:v3+s15+$0x0], $0xffff  }
0x146: {  	v2 =	vld.idx.msk [tilespmem:v2+s15+$0x0], $0xffff;
	_ =	sdelay $0x3  }
0x147: {  	[tilespmem:s30+$0x280] =	vst v3;
	v3 =	vor.u32 s1, v0  }
0x148: {  	s16 =	simm.s32 $0x7;
	[tilespmem:s30+$0x290] =	vst v2;
	v2 =	vor.u32 s1, v1  }
0x149: {  	_ =	swait.ge [sflag:s16], $0x1000  }
0x14a: {  	[sflag:s16] =	ssyncset.done $0x0  }
0x14b: {  	s17 =	simm.s32 $0x6200;
	[sflag:s16] =	ssyncadd.s32 $0xFFFFF000  }
0x14c: {  	v3 =	vld.idx.msk [tilespmem:v3+s17+$0x0], $0xffff  }
0x14d: {  	v2 =	vld.idx.msk [tilespmem:v2+s17+$0x0], $0xffff;
	_ =	sdelay $0x3  }
0x14e: {  	[tilespmem:s30+$0x300] =	vst v3;
	v3 =	vor.u32 s0, v0  }
0x14f: {  	v4 =	vor.u32 s0, v1;
	s20 =	simm.s32 $0x8;
	[tilespmem:s30+$0x310] =	vst v2  }
0x150: {  	_ =	swait.ge [sflag:s20], $0x1000  }
0x151: {  	[sflag:s20] =	ssyncset.done $0x0  }
0x152: {  	s23 =	simm.s32 $0x7200;
	[sflag:s20] =	ssyncadd.s32 $0xFFFFF000  }
0x153: {  	v2 =	vld.idx.msk [tilespmem:v3+s23+$0x0], $0xffff  }
0x154: {  	v3 =	vld.idx.msk [tilespmem:v4+s23+$0x0], $0xffff;
	_ =	sdelay $0x3  }
0x155: {  	s7 =	simm.s32 $0x0;
	[tilespmem:s30+$0x380] =	vst v2  }
0x156: {  	s25 =	simm.s32 $0x8200;
	s1 =	simm.s32 $0x9;
	s24 =	rddreg [dreg:$0x7];
	[tilespmem:s30+$0x390] =	vst v3  }
0x157: {  	[hbm4b:s24+s7] =	stream.linear.scatter [tilespmem:s25], [sflag:$0x9], $0x10000, $0x38;
	[tilespmem:$0x18200] =	vst v63  }
0x158: {  	_ =	swait.ge [sflag:s1], $0x10000  }
0x159: {  	s26 =	rddreg [dreg:$0x9]  }
0x15a: {  	s29 =	rddreg [dreg:$0x8];
	s3 =	sadd.s32 $0x1, s26  }
0x15b: {  	p0 =	sne.s32 s3, s29  }
.Ltmp1:
0x15c: {  	_ = 	snop;
	(pc) =	sbr.rel @p0 .LBB2_1-.Ltmp1, $3  }
0x15d: {  	_ =	sdelay $0x1  }
0x15e: {  	s31 =	simm.s32 $0x4;
	[sflag:s1] =	ssyncset.done $0x0  }
0x15f: {  	s30 =	simm.s32 $0x3;
	[sflag:s1] =	ssyncadd.s32 $0xFFFF0000;
	s26 =	simm.s32 $0x2  }
0x160: {  	_ =	sfence.sel $0x180000  }
0x161: {  	[bflag:$0x0] =	sbarrier.arrive $0xFFFF  }
0x162: {  	_ =	strace $0x90000047  }
0x163: {  	s0 =	stileid.u32;
	[bflag:$0x2] =	sbarrier.arrive $0xFFFF  }
0x164: {  	p0 =	sne.s32 s0, $0x0;
	s0 =	rddreg [dreg:$0x3]  }
0x165: {  	s0 =	sadd.s32 @!p0 $0x100000, s0  }
0x166: {  	[sflag:s0] =	ssyncadd.tile.s32 @!p0 $0x1;
	_ =	shalt  }
.Lfunc_end2:
_tile_overlayer_lowered:
.L_overlay_start_2:
0x167: {  	(tag) =	ssettag $0x2  }
0x168: {  	s0 =	rddreg [dreg:$0x0];
	s2 =	stileid.u32  }
0x169: {  	s1 =	rddreg [dreg:$0x1];
	p0 =	sne.s32 s2, $0x0  }
0x16a: {  	s3 =	rddreg [dreg:$0x2];
	[bflag:$0x3] =	sbarrier.arrive $0xFFFF;
	s2 =	simm.s32 @!p0 $0x1C09  }
0x16b: {  	[timem:s3], [sflag:s2] =	dma.local @!p0 [hbm:s0], s1  }
0x16c: {  	s0 =	simm.s32 @!p0 $0x9  }
0x16d: {  	_ =	swait.ge @!p0 [sflag:s0], s1  }
0x16e: {  	s1 =	ssub.s32 @!p0 $0x0, s1;
	[sflag:s0] =	ssyncset.done @!p0 $0x0  }
0x16f: {  	[sflag:s0] =	ssyncadd.s32 @!p0 s1  }
0x170: {  	[bflag:$0x3] =	sbarrier.arrive $0xFFFF  }
0x171: {  	_ =	shalt  }

</sc_bundles>
